<compile_context>
chip_gen: v7x
topology: tpu7x:2x2x1
jax: 0.10.2.dev20260603
libtpu: 0.0.44.dev20260713+nightly
codegen_flags: <defaults>
</compile_context>

<pallas_src>
import functools

import jax
import jax.numpy as jnp
from jax import lax
from jax.experimental import pallas as pl
from jax.experimental.pallas import tpu as pltpu
from jax.experimental.pallas import tpu_sc as plsc

NC = 2
NS = 16
NW = NC * NS
LANES = 16

CHUNK = 200
SUBS = (200,)
SUB_OFF = (0,)
OSUBS = (56, 48, 48, 48)
OSUB_OFF = (0, 56, 104, 152)


def _sc_embed(idx, emb_weight, pos_table, seq):
    T = idx.shape[0]
    D = emb_weight.shape[1]
    per_tile = T // NW
    n_chunks = per_tile // CHUNK
    assert T == per_tile * NW and per_tile == n_chunks * CHUNK
    assert CHUNK == seq and n_chunks % 2 == 0
    ngrp = (CHUNK + LANES - 1) // LANES

    mesh = plsc.VectorSubcoreMesh(core_axis_name="c", subcore_axis_name="s")

    @functools.partial(
        pl.kernel,
        out_type=jax.ShapeDtypeStruct((T, D), jnp.float32),
        mesh=mesh,
        compiler_params=pltpu.CompilerParams(needs_layout_passes=False),
        scratch_types=[
            pltpu.VMEM((per_tile,), jnp.int32),
            pltpu.VMEM((CHUNK,), jnp.int32),
            pltpu.VMEM((CHUNK, D), jnp.float32),
            pltpu.VMEM((CHUNK, D), jnp.float32),
            pltpu.VMEM((CHUNK, D), jnp.float32),
            pltpu.VMEM((SUBS[0], D), jnp.float32),
            pltpu.SemaphoreType.DMA,
            pltpu.SemaphoreType.DMA,
            pltpu.SemaphoreType.DMA,
            pltpu.SemaphoreType.DMA,
            pltpu.SemaphoreType.DMA,
        ],
    )
    def body(idx_hbm, tab_hbm, ptab_hbm, out_hbm, idx_v, pos_v, tok0, tok1,
             posblk, pos_r, sem_t0, sem_t1, sem_o0, sem_o1, sem_p):
        wid = lax.axis_index("s") * NC + lax.axis_index("c")
        base = wid * per_tile
        toks = (tok0, tok1)
        sem_t = (sem_t0, sem_t1)
        sem_o = (sem_o0, sem_o1)

        pltpu.sync_copy(idx_hbm.at[pl.ds(base, per_tile)], idx_v)

        def pat_body(j, carry2):
            off = jnp.minimum(j * LANES, CHUNK - LANES)
            v = lax.iota(jnp.int32, LANES) + off
            pos_v[pl.ds(off, LANES)] = jnp.where(v >= seq, v - seq, v) + 1
            return carry2

        lax.fori_loop(0, ngrp, pat_body, 0)
        for ko, kl in zip(SUB_OFF, SUBS):
            pltpu.async_copy(
                ptab_hbm.at[pos_v.at[pl.ds(ko, kl)]],
                posblk.at[pl.ds(ko, kl)], sem_p).wait()

        def scan_chunk(c):
            def scan_body(j, z):
                off = c * CHUNK + jnp.minimum(j * LANES, CHUNK - LANES)
                t = idx_v[pl.ds(off, LANES)]
                return z | (t == 0)

            zmask = lax.fori_loop(0, ngrp, scan_body,
                                  jnp.zeros((LANES,), jnp.bool_))
            return plsc.all_reduce_population_count(zmask)[0]

        def fire_gathers(c, b):
            for ko, kl in zip(SUB_OFF, SUBS):
                pltpu.async_copy(
                    tab_hbm.at[idx_v.at[pl.ds(c * CHUNK + ko, kl)]],
                    toks[b].at[pl.ds(ko, kl)], sem_t[b])

        def drain(sem, nbytes_ref):
            pltpu.make_async_copy(
                tab_hbm.at[pl.ds(0, CHUNK)], nbytes_ref, sem).wait()

        def prefetch(c_next, b_next):
            @pl.when(c_next < n_chunks)
            def _():
                @pl.when(c_next > 1)
                def _():
                    drain(sem_o[b_next], toks[b_next])
                fire_gathers(c_next, b_next)

        def add_chunk(c, b, zcnt):
            tok_r = toks[b]

            @pl.when(zcnt == 0)
            def _():
                for ko, kl in zip(OSUB_OFF, OSUBS):
                    def add_body(i, carry2, ko=ko):
                        for jj in range(D // LANES):
                            cols = pl.ds(jj * LANES, LANES)
                            plsc.addupdate(tok_r.at[ko + i, cols],
                                           posblk[ko + i, cols])
                        return carry2

                    lax.fori_loop(0, kl, add_body, 0)
                    pltpu.async_copy(
                        tok_r.at[pl.ds(ko, kl)],
                        out_hbm.at[pl.ds(base + c * CHUNK + ko, kl)],
                        sem_o[b])

            @pl.when(zcnt > 0)
            def _():
                def pos_body(j, carry2):
                    off = jnp.minimum(j * LANES, CHUNK - LANES)
                    t = idx_v[pl.ds(c * CHUNK + off, LANES)]
                    v = lax.iota(jnp.int32, LANES) + off
                    v = jnp.where(v >= seq, v - seq, v) + 1
                    pos_v[pl.ds(off, LANES)] = jnp.where(t == 0, 0, v)
                    return carry2

                lax.fori_loop(0, ngrp, pos_body, 0)
                for ko, kl in zip(SUB_OFF, SUBS):
                    pltpu.async_copy(
                        ptab_hbm.at[pos_v.at[pl.ds(ko, kl)]],
                        pos_r.at[pl.ds(0, kl)], sem_p).wait()

                    def add_body(i, carry2, ko=ko):
                        for jj in range(D // LANES):
                            cols = pl.ds(jj * LANES, LANES)
                            plsc.addupdate(tok_r.at[ko + i, cols],
                                           pos_r[i, cols])
                        return carry2

                    lax.fori_loop(0, kl, add_body, 0)
                    pltpu.async_copy(
                        tok_r.at[pl.ds(ko, kl)],
                        out_hbm.at[pl.ds(base + c * CHUNK + ko, kl)],
                        sem_o[b])

        def half(c, b, z_cur):
            z_next = scan_chunk(jnp.minimum(c + 1, n_chunks - 1))
            prefetch(c + 1, 1 - b)
            drain(sem_t[b], toks[b])
            add_chunk(c, b, z_cur)
            return z_next

        z0 = scan_chunk(0)
        fire_gathers(0, 0)

        def super_body(k, z_even):
            z_odd = half(2 * k, 0, z_even)
            return half(2 * k + 1, 1, z_odd)

        lax.fori_loop(0, n_chunks // 2, super_body, z0)
        drain(sem_o0, tok0)
        drain(sem_o1, tok1)

    return body(idx, emb_weight, pos_table)


def kernel(inputs, emb_weight, pos_table):
    B, L = inputs.shape
    D = emb_weight.shape[1]
    P = pos_table.shape[0]
    pad = (-P) % 8
    if pad:
        pos_table = jnp.concatenate(
            [pos_table, jnp.zeros((pad, D), pos_table.dtype)])
    out = _sc_embed(inputs.reshape(B * L), emb_weight, pos_table, L)
    return out.reshape(B, L, D)

# --- scband reference (transcript-rebuilt; emitter-appended) ---
"""Pipeline reference for scband-embeding-65214783422470 (READ-ONLY COPY).

The authoritative reference and input builder live on the scoring server;
editing this copy changes nothing except your own understanding.
"""

import jax, jax.numpy as jnp
import numpy as np

D_HIDN = 128
I_PAD = 0
N_VOCAB = 100000
POS_SEQ = 200
BATCH = 4096
SEQ = 200


def _sinusoid_table(n_seq, d_hidn):
    pos = np.arange(n_seq)[:, None].astype(np.float64)
    i = np.arange(d_hidn)[None, :]
    table = pos / np.power(10000.0, 2 * (i // 2) / d_hidn)
    table[:, 0::2] = np.sin(table[:, 0::2])
    table[:, 1::2] = np.cos(table[:, 1::2])
    return jnp.asarray(table, dtype=jnp.float32)


def setup_inputs(seed: int = 0) -> dict:
    key = jax.random.key(seed)
    k1, k2 = jax.random.split(key)
    inputs = jax.random.randint(k1, (BATCH, SEQ), 0, N_VOCAB, dtype=jnp.int32)
    emb_weight = jax.random.normal(k2, (N_VOCAB, D_HIDN), dtype=jnp.float32)
    pos_table = _sinusoid_table(POS_SEQ + 1, D_HIDN)
    return {"inputs": inputs, "emb_weight": emb_weight, "pos_table": pos_table}


def reference(inputs, emb_weight, pos_table):
    B, L = inputs.shape
    positions = jnp.broadcast_to(jnp.arange(1, L + 1, dtype=inputs.dtype), (B, L))
    pos_mask = inputs == I_PAD
    positions = jnp.where(pos_mask, 0, positions)
    tok = jnp.take(emb_weight, inputs, axis=0)
    pos = jnp.take(pos_table, positions, axis=0)
    return tok + pos

if __name__ == "__main__":
    import jax
    _d = setup_inputs()
    print(jax.jit(kernel)(*tuple(_d.values())))

</pallas_src>

<mosaic_0001>
#map = affine_map<(d0, d1) -> (0)>
#map1 = affine_map<(d0, d1) -> (0, 0)>
module attributes {stable_mosaic.version = 14 : i64} {
  func.func @body(%arg0: i32, %arg1: i32, %arg2: memref<819200xi32, #tpu.memory_space<hbm>>, %arg3: memref<100000x128xf32, #tpu.memory_space<hbm>>, %arg4: memref<208x128xf32, #tpu.memory_space<hbm>>, %arg5: memref<819200x128xf32, #tpu.memory_space<hbm>>, %arg6: memref<25600xi32, #tpu.memory_space<vmem>>, %arg7: memref<200xi32, #tpu.memory_space<vmem>>, %arg8: memref<200x128xf32, #tpu.memory_space<vmem>>, %arg9: memref<200x128xf32, #tpu.memory_space<vmem>>, %arg10: memref<200x128xf32, #tpu.memory_space<vmem>>, %arg11: memref<200x128xf32, #tpu.memory_space<vmem>>, %arg12: memref<!tpu.dma_semaphore, #tpu.memory_space<semaphore_mem>>, %arg13: memref<!tpu.dma_semaphore, #tpu.memory_space<semaphore_mem>>, %arg14: memref<!tpu.dma_semaphore, #tpu.memory_space<semaphore_mem>>, %arg15: memref<!tpu.dma_semaphore, #tpu.memory_space<semaphore_mem>>, %arg16: memref<!tpu.dma_semaphore, #tpu.memory_space<semaphore_mem>>) attributes {dimension_semantics = [#tpu.dimension_semantics<core_parallel>, #tpu.dimension_semantics<subcore_parallel>], iteration_bounds = array<i64: 2, 16>, scalar_prefetch = 0 : i64, scratch_operands = 11 : i64, tpu.core_type = #tpu.core_type<sc_vector_subcore>, window_params = [{transform_indices = #map}, {transform_indices = #map1}, {transform_indices = #map1}, {transform_indices = #map1}]} {
    %mul3A = arith.constant 2 : i32
    %mul3A_0 = arith.muli %arg1, %mul3A : i32
    %add3A = arith.addi %mul3A_0, %arg0 : i32
    %mul3A_1 = arith.constant 25600 : i32
    %mul3A_2 = arith.muli %add3A, %mul3A_1 : i32
    "tpu.region"() ({
      %run_scoped3A = tpu.sem_alloc : memref<!tpu.dma_semaphore, #tpu.memory_space<semaphore_mem>>
      %dma_start3A_55 = tpu.memref_slice %arg2[%mul3A_2] : memref<819200xi32, #tpu.memory_space<hbm>> -> memref<25600xi32, #tpu.memory_space<hbm>>
      %dma_start3A_56 = tpu.memref_slice %arg2[%mul3A_2] : memref<819200xi32, #tpu.memory_space<hbm>> -> memref<25600xi32, #tpu.memory_space<hbm>>
      tpu.enqueue_dma source(%dma_start3A_56 : memref<25600xi32, #tpu.memory_space<hbm>>) target(%arg6 : memref<25600xi32, #tpu.memory_space<vmem>>) target_semaphore(%run_scoped3A : memref<!tpu.dma_semaphore, #tpu.memory_space<semaphore_mem>>)
      %dma_wait3A_57 = tpu.memref_slice %arg2[%mul3A_2] : memref<819200xi32, #tpu.memory_space<hbm>> -> memref<25600xi32, #tpu.memory_space<hbm>>
      %dma_wait3A_58 = tpu.memref_slice %arg2[%mul3A_2] : memref<819200xi32, #tpu.memory_space<hbm>> -> memref<25600xi32, #tpu.memory_space<hbm>>
      tpu.wait_dma2 semaphore(%run_scoped3A : memref<!tpu.dma_semaphore, #tpu.memory_space<semaphore_mem>>) src(%dma_wait3A_58 : memref<25600xi32, #tpu.memory_space<hbm>>) dst(%arg6 : memref<25600xi32, #tpu.memory_space<vmem>>)
      tpu.yield
    }) : () -> ()
    %scan3A = arith.constant 0 : i32
    %scan3A_3 = arith.constant 0 : i32
    %scan3A_4 = arith.constant 13 : i32
    %scan3A_5 = arith.addi %scan3A_3, %scan3A_4 : i32
    %scan3A_6 = arith.constant 1 : i32
    scf.for %scan3A_55 = %scan3A_3 to %scan3A_5 step %scan3A_6  : i32 {
      %mul3A_56 = arith.constant 16 : i32
      %mul3A_57 = arith.muli %scan3A_55, %mul3A_56 : i32
      %min3A = arith.constant 184 : i32
      %min3A_58 = arith.minsi %mul3A_57, %min3A : i32
      %iota3A = tpu.iota {dimensions = array<i32: 0>} : vector<16xi32>
      %add3A_59 = vector.broadcast %min3A_58 : i32 to vector<16xi32>
      %add3A_60 = arith.addi %iota3A, %add3A_59 : vector<16xi32>
      %ge3A = arith.constant 200 : i32
      %ge3A_61 = vector.broadcast %ge3A : i32 to vector<16xi32>
      %ge3A_62 = arith.cmpi sge, %add3A_60, %ge3A_61 : vector<16xi32>
      %sub3A = arith.constant 200 : i32
      %sub3A_63 = vector.broadcast %sub3A : i32 to vector<16xi32>
      %sub3A_64 = arith.subi %add3A_60, %sub3A_63 : vector<16xi32>
      %select_n3A = arith.select %ge3A_62, %sub3A_64, %add3A_60 : vector<16xi1>, vector<16xi32>
      %add3A_65 = arith.constant 1 : i32
      %add3A_66 = vector.broadcast %add3A_65 : i32 to vector<16xi32>
      %add3A_67 = arith.addi %select_n3A, %add3A_66 : vector<16xi32>
      %swap3A = arith.index_cast %min3A_58 : i32 to index
      %swap3A_68 = tpu.vector_load %arg7[%swap3A] {strides = array<i32>} : memref<200xi32, #tpu.memory_space<vmem>>, vector<16xi32>,
      tpu.vector_store %arg7[%swap3A], %add3A_67 {strides = array<i32>} : memref<200xi32, #tpu.memory_space<vmem>>, vector<16xi32>,
    }
    %scan3A_7 = arith.constant 13 : i32
    %dma_start3A = arith.constant 0 : i32
    %dma_start3A_8 = arith.constant 0 : i32
    %dma_start3A_9 = tpu.memref_slice %arg10[%dma_start3A, %dma_start3A_8] : memref<200x128xf32, #tpu.memory_space<vmem>> -> memref<200x128xf32, #tpu.memory_space<vmem>>
    %dma_start3A_10 = arith.constant 0 : i32
    %dma_start3A_11 = tpu.memref_slice %arg7[%dma_start3A_10] : memref<200xi32, #tpu.memory_space<vmem>> -> memref<200xi32, #tpu.memory_space<vmem>>
    %dma_start3A_12 = arith.constant 0 : i32
    %dma_start3A_13 = arith.constant 0 : i32
    %dma_start3A_14 = tpu.memref_slice %arg4[%dma_start3A_12, %dma_start3A_13] : memref<208x128xf32, #tpu.memory_space<hbm>> -> memref<208x128xf32, #tpu.memory_space<hbm>>
    tpu.enqueue_indirect_dma source(%dma_start3A_14 : memref<208x128xf32, #tpu.memory_space<hbm>>) target(%dma_start3A_9 : memref<200x128xf32, #tpu.memory_space<vmem>>) offsets(%dma_start3A_11 : memref<200xi32, #tpu.memory_space<vmem>>) semaphore(%arg16 : memref<!tpu.dma_semaphore, #tpu.memory_space<semaphore_mem>>)
    %dma_wait3A = arith.constant 0 : i32
    %dma_wait3A_15 = arith.constant 0 : i32
    %dma_wait3A_16 = tpu.memref_slice %arg10[%dma_wait3A, %dma_wait3A_15] : memref<200x128xf32, #tpu.memory_space<vmem>> -> memref<200x128xf32, #tpu.memory_space<vmem>>
    %dma_wait3A_17 = arith.constant 0 : i32
    %dma_wait3A_18 = tpu.memref_slice %arg7[%dma_wait3A_17] : memref<200xi32, #tpu.memory_space<vmem>> -> memref<200xi32, #tpu.memory_space<vmem>>
    %dma_wait3A_19 = arith.constant 0 : i32
    %dma_wait3A_20 = arith.constant 0 : i32
    %dma_wait3A_21 = tpu.memref_slice %arg4[%dma_wait3A_19, %dma_wait3A_20] : memref<208x128xf32, #tpu.memory_space<hbm>> -> memref<208x128xf32, #tpu.memory_space<hbm>>
    tpu.wait_indirect_dma semaphore(%arg16 : memref<!tpu.dma_semaphore, #tpu.memory_space<semaphore_mem>>) src(%dma_wait3A_21 : memref<208x128xf32, #tpu.memory_space<hbm>>) dst(%dma_wait3A_16 : memref<200x128xf32, #tpu.memory_space<vmem>>)
    %broadcast_in_dim3A = arith.constant false
    %broadcast_in_dim3A_22 = vector.broadcast %broadcast_in_dim3A : i1 to vector<16xi1>
    %scan3A_23 = arith.constant 0 : i32
    %scan3A_24 = arith.constant 13 : i32
    %scan3A_25 = arith.addi %scan3A_23, %scan3A_24 : i32
    %scan3A_26 = arith.constant 1 : i32
    %scan3A_27 = scf.for %scan3A_55 = %scan3A_23 to %scan3A_25 step %scan3A_26 iter_args(%scan3A_56 = %broadcast_in_dim3A_22) -> (vector<16xi1>)  : i32 {
      %mul3A_57 = arith.constant 16 : i32
      %mul3A_58 = arith.muli %scan3A_55, %mul3A_57 : i32
      %min3A = arith.constant 184 : i32
      %min3A_59 = arith.minsi %mul3A_58, %min3A : i32
      %add3A_60 = arith.constant 0 : i32
      %add3A_61 = arith.addi %add3A_60, %min3A_59 : i32
      %get3A = arith.index_cast %add3A_61 : i32 to index
      %get3A_62 = tpu.vector_load %arg6[%get3A] {strides = array<i32>} : memref<25600xi32, #tpu.memory_space<vmem>>, vector<16xi32>,
      %eq3A = arith.constant 0 : i32
      %eq3A_63 = vector.broadcast %eq3A : i32 to vector<16xi32>
      %eq3A_64 = arith.cmpi eq, %get3A_62, %eq3A_63 : vector<16xi32>
      %or3A = arith.ori %scan3A_56, %eq3A_64 : vector<16xi1>
      scf.yield %or3A : vector<16xi1>
    }
    %scan3A_28 = arith.constant 13 : i32
    %all_reduce_population_count3A = tpu.all_reduce %scan3A_27 {dim = 0 : i64, kind = #tpu.reduction_kind<sum>} : vector<16xi1> -> vector<16xi32>
    %slice3A = vector.extract_strided_slice %all_reduce_population_count3A {offsets = [0], sizes = [1], strides = [1]} : vector<16xi32> to vector<1xi32>
    %squeeze3A = vector.extract %slice3A[0] : i32 from vector<1xi32>
    %dma_start3A_29 = arith.constant 0 : i32
    %dma_start3A_30 = arith.constant 0 : i32
    %dma_start3A_31 = tpu.memref_slice %arg8[%dma_start3A_29, %dma_start3A_30] : memref<200x128xf32, #tpu.memory_space<vmem>> -> memref<200x128xf32, #tpu.memory_space<vmem>>
    %dma_start3A_32 = arith.constant 0 : i32
    %dma_start3A_33 = tpu.memref_slice %arg6[%dma_start3A_32] : memref<25600xi32, #tpu.memory_space<vmem>> -> memref<200xi32, #tpu.memory_space<vmem>>
    %dma_start3A_34 = arith.constant 0 : i32
    %dma_start3A_35 = arith.constant 0 : i32
    %dma_start3A_36 = tpu.memref_slice %arg3[%dma_start3A_34, %dma_start3A_35] : memref<100000x128xf32, #tpu.memory_space<hbm>> -> memref<100000x128xf32, #tpu.memory_space<hbm>>
    tpu.enqueue_indirect_dma source(%dma_start3A_36 : memref<100000x128xf32, #tpu.memory_space<hbm>>) target(%dma_start3A_31 : memref<200x128xf32, #tpu.memory_space<vmem>>) offsets(%dma_start3A_33 : memref<200xi32, #tpu.memory_space<vmem>>) semaphore(%arg12 : memref<!tpu.dma_semaphore, #tpu.memory_space<semaphore_mem>>)
    %scan3A_37 = arith.constant 0 : i32
    %scan3A_38 = arith.constant 64 : i32
    %scan3A_39 = arith.addi %scan3A_37, %scan3A_38 : i32
    %scan3A_40 = arith.constant 1 : i32
    %scan3A_41 = scf.for %scan3A_55 = %scan3A_37 to %scan3A_39 step %scan3A_40 iter_args(%scan3A_56 = %squeeze3A) -> (i32)  : i32 {
      %mul3A_57 = arith.constant 2 : i32
      %mul3A_58 = arith.muli %mul3A_57, %scan3A_55 : i32
      %add3A_59 = arith.constant 1 : i32
      %add3A_60 = arith.addi %mul3A_58, %add3A_59 : i32
      %min3A = arith.constant 127 : i32
      %min3A_61 = arith.minsi %add3A_60, %min3A : i32
      %broadcast_in_dim3A_62 = arith.constant false
      %broadcast_in_dim3A_63 = vector.broadcast %broadcast_in_dim3A_62 : i1 to vector<16xi1>
      %scan3A_64 = arith.constant 0 : i32
      %scan3A_65 = arith.constant 13 : i32
      %scan3A_66 = arith.addi %scan3A_64, %scan3A_65 : i32
      %scan3A_67 = arith.constant 1 : i32
      %scan3A_68 = scf.for %scan3A_133 = %scan3A_64 to %scan3A_66 step %scan3A_67 iter_args(%scan3A_134 = %broadcast_in_dim3A_63) -> (vector<16xi1>)  : i32 {
        %mul3A_135 = arith.constant 200 : i32
        %mul3A_136 = arith.muli %min3A_61, %mul3A_135 : i32
        %mul3A_137 = arith.constant 16 : i32
        %mul3A_138 = arith.muli %scan3A_133, %mul3A_137 : i32
        %min3A_139 = arith.constant 184 : i32
        %min3A_140 = arith.minsi %mul3A_138, %min3A_139 : i32
        %add3A_141 = arith.addi %mul3A_136, %min3A_140 : i32
        %get3A = arith.index_cast %add3A_141 : i32 to index
        %get3A_142 = tpu.vector_load %arg6[%get3A] {strides = array<i32>} : memref<25600xi32, #tpu.memory_space<vmem>>, vector<16xi32>,
        %eq3A_143 = arith.constant 0 : i32
        %eq3A_144 = vector.broadcast %eq3A_143 : i32 to vector<16xi32>
        %eq3A_145 = arith.cmpi eq, %get3A_142, %eq3A_144 : vector<16xi32>
        %or3A = arith.ori %scan3A_134, %eq3A_145 : vector<16xi1>
        scf.yield %or3A : vector<16xi1>
      }
      %scan3A_69 = arith.constant 13 : i32
      %all_reduce_population_count3A_70 = tpu.all_reduce %scan3A_68 {dim = 0 : i64, kind = #tpu.reduction_kind<sum>} : vector<16xi1> -> vector<16xi32>
      %slice3A_71 = vector.extract_strided_slice %all_reduce_population_count3A_70 {offsets = [0], sizes = [1], strides = [1]} : vector<16xi32> to vector<1xi32>
      %squeeze3A_72 = vector.extract %slice3A_71[0] : i32 from vector<1xi32>
      %add3A_73 = arith.constant 1 : i32
      %add3A_74 = arith.addi %mul3A_58, %add3A_73 : i32
      %lt3A = arith.constant 128 : i32
      %lt3A_75 = arith.cmpi slt, %add3A_74, %lt3A : i32
      %convert_element_type3A = arith.extui %lt3A_75 : i1 to i32
      %cond3A = arith.constant 0 : i32
      %cond3A_76 = arith.cmpi ne, %convert_element_type3A, %cond3A : i32
      scf.if %cond3A_76 {
        %gt3A_133 = arith.constant 1 : i32
        %gt3A_134 = arith.cmpi sgt, %add3A_74, %gt3A_133 : i32
        %convert_element_type3A_135 = arith.extui %gt3A_134 : i1 to i32
        %cond3A_136 = arith.constant 0 : i32
        %cond3A_137 = arith.cmpi ne, %convert_element_type3A_135, %cond3A_136 : i32
        scf.if %cond3A_137 {
          %dma_wait3A_149 = arith.constant 0 : i32
          %dma_wait3A_150 = arith.constant 0 : i32
          %dma_wait3A_151 = tpu.memref_slice %arg3[%dma_wait3A_149, %dma_wait3A_150] : memref<100000x128xf32, #tpu.memory_space<hbm>> -> memref<200x128xf32, #tpu.memory_space<hbm>>
          %dma_wait3A_152 = arith.constant 0 : i32
          %dma_wait3A_153 = arith.constant 0 : i32
          %dma_wait3A_154 = tpu.memref_slice %arg3[%dma_wait3A_152, %dma_wait3A_153] : memref<100000x128xf32, #tpu.memory_space<hbm>> -> memref<200x128xf32, #tpu.memory_space<hbm>>
          tpu.wait_dma2 semaphore(%arg15 : memref<!tpu.dma_semaphore, #tpu.memory_space<semaphore_mem>>) src(%dma_wait3A_154 : memref<200x128xf32, #tpu.memory_space<hbm>>) dst(%arg9 : memref<200x128xf32, #tpu.memory_space<vmem>>)
        } else {
        }
        %mul3A_138 = arith.constant 200 : i32
        %mul3A_139 = arith.muli %add3A_74, %mul3A_138 : i32
        %add3A_140 = arith.constant 0 : i32
        %add3A_141 = arith.addi %mul3A_139, %add3A_140 : i32
        %dma_start3A_142 = arith.constant 0 : i32
        %dma_start3A_143 = arith.constant 0 : i32
        %dma_start3A_144 = tpu.memref_slice %arg9[%dma_start3A_142, %dma_start3A_143] : memref<200x128xf32, #tpu.memory_space<vmem>> -> memref<200x128xf32, #tpu.memory_space<vmem>>
        %dma_start3A_145 = tpu.memref_slice %arg6[%add3A_141] : memref<25600xi32, #tpu.memory_space<vmem>> -> memref<200xi32, #tpu.memory_space<vmem>>
        %dma_start3A_146 = arith.constant 0 : i32
        %dma_start3A_147 = arith.constant 0 : i32
        %dma_start3A_148 = tpu.memref_slice %arg3[%dma_start3A_146, %dma_start3A_147] : memref<100000x128xf32, #tpu.memory_space<hbm>> -> memref<100000x128xf32, #tpu.memory_space<hbm>>
        tpu.enqueue_indirect_dma source(%dma_start3A_148 : memref<100000x128xf32, #tpu.memory_space<hbm>>) target(%dma_start3A_144 : memref<200x128xf32, #tpu.memory_space<vmem>>) offsets(%dma_start3A_145 : memref<200xi32, #tpu.memory_space<vmem>>) semaphore(%arg13 : memref<!tpu.dma_semaphore, #tpu.memory_space<semaphore_mem>>)
      } else {
      }
      %dma_wait3A_77 = arith.constant 0 : i32
      %dma_wait3A_78 = arith.constant 0 : i32
      %dma_wait3A_79 = tpu.memref_slice %arg3[%dma_wait3A_77, %dma_wait3A_78] : memref<100000x128xf32, #tpu.memory_space<hbm>> -> memref<200x128xf32, #tpu.memory_space<hbm>>
      %dma_wait3A_80 = arith.constant 0 : i32
      %dma_wait3A_81 = arith.constant 0 : i32
      %dma_wait3A_82 = tpu.memref_slice %arg3[%dma_wait3A_80, %dma_wait3A_81] : memref<100000x128xf32, #tpu.memory_space<hbm>> -> memref<200x128xf32, #tpu.memory_space<hbm>>
      tpu.wait_dma2 semaphore(%arg12 : memref<!tpu.dma_semaphore, #tpu.memory_space<semaphore_mem>>) src(%dma_wait3A_82 : memref<200x128xf32, #tpu.memory_space<hbm>>) dst(%arg8 : memref<200x128xf32, #tpu.memory_space<vmem>>)
      %eq3A = arith.constant 0 : i32
      %eq3A_83 = arith.cmpi eq, %scan3A_56, %eq3A : i32
      %convert_element_type3A_84 = arith.extui %eq3A_83 : i1 to i32
      %cond3A_85 = arith.constant 0 : i32
      %cond3A_86 = arith.cmpi ne, %convert_element_type3A_84, %cond3A_85 : i32
      scf.if %cond3A_86 {
        %scan3A_133 = arith.constant 0 : i32
        %scan3A_134 = arith.constant 0 : i32
        %scan3A_135 = arith.constant 56 : i32
        %scan3A_136 = arith.addi %scan3A_134, %scan3A_135 : i32
        %scan3A_137 = arith.constant 1 : i32
        scf.for %scan3A_217 = %scan3A_134 to %scan3A_136 step %scan3A_137  : i32 {
          %add3A_218 = arith.constant 0 : i32
          %add3A_219 = arith.addi %add3A_218, %scan3A_217 : i32
          %add3A_220 = arith.constant 0 : i32
          %add3A_221 = arith.addi %add3A_220, %scan3A_217 : i32
          %get3A = arith.index_cast %add3A_221 : i32 to index
          %get3A_222 = arith.constant 0 : index
          %get3A_223 = tpu.vector_load %arg10[%get3A, %get3A_222] {strides = array<i32>} : memref<200x128xf32, #tpu.memory_space<vmem>>, vector<16xf32>,
          %swap3A = arith.index_cast %add3A_219 : i32 to index
          %swap3A_224 = arith.constant 0 : index
          %swap3A_225 = tpu.vector_load %arg8[%swap3A, %swap3A_224] {strides = array<i32>} : memref<200x128xf32, #tpu.memory_space<vmem>>, vector<16xf32>,
          tpu.vector_store %arg8[%swap3A, %swap3A_224], %get3A_223 {add = true, strides = array<i32>} : memref<200x128xf32, #tpu.memory_space<vmem>>, vector<16xf32>,
          %add3A_226 = arith.constant 0 : i32
          %add3A_227 = arith.addi %add3A_226, %scan3A_217 : i32
          %add3A_228 = arith.constant 0 : i32
          %add3A_229 = arith.addi %add3A_228, %scan3A_217 : i32
          %get3A_230 = arith.index_cast %add3A_229 : i32 to index
          %get3A_231 = arith.constant 16 : index
          %get3A_232 = tpu.vector_load %arg10[%get3A_230, %get3A_231] {strides = array<i32>} : memref<200x128xf32, #tpu.memory_space<vmem>>, vector<16xf32>,
          %swap3A_233 = arith.index_cast %add3A_227 : i32 to index
          %swap3A_234 = arith.constant 16 : index
          %swap3A_235 = tpu.vector_load %arg8[%swap3A_233, %swap3A_234] {strides = array<i32>} : memref<200x128xf32, #tpu.memory_space<vmem>>, vector<16xf32>,
          tpu.vector_store %arg8[%swap3A_233, %swap3A_234], %get3A_232 {add = true, strides = array<i32>} : memref<200x128xf32, #tpu.memory_space<vmem>>, vector<16xf32>,
          %add3A_236 = arith.constant 0 : i32
          %add3A_237 = arith.addi %add3A_236, %scan3A_217 : i32
          %add3A_238 = arith.constant 0 : i32
          %add3A_239 = arith.addi %add3A_238, %scan3A_217 : i32
          %get3A_240 = arith.index_cast %add3A_239 : i32 to index
          %get3A_241 = arith.constant 32 : index
          %get3A_242 = tpu.vector_load %arg10[%get3A_240, %get3A_241] {strides = array<i32>} : memref<200x128xf32, #tpu.memory_space<vmem>>, vector<16xf32>,
          %swap3A_243 = arith.index_cast %add3A_237 : i32 to index
          %swap3A_244 = arith.constant 32 : index
          %swap3A_245 = tpu.vector_load %arg8[%swap3A_243, %swap3A_244] {strides = array<i32>} : memref<200x128xf32, #tpu.memory_space<vmem>>, vector<16xf32>,
          tpu.vector_store %arg8[%swap3A_243, %swap3A_244], %get3A_242 {add = true, strides = array<i32>} : memref<200x128xf32, #tpu.memory_space<vmem>>, vector<16xf32>,
          %add3A_246 = arith.constant 0 : i32
          %add3A_247 = arith.addi %add3A_246, %scan3A_217 : i32
          %add3A_248 = arith.constant 0 : i32
          %add3A_249 = arith.addi %add3A_248, %scan3A_217 : i32
          %get3A_250 = arith.index_cast %add3A_249 : i32 to index
          %get3A_251 = arith.constant 48 : index
          %get3A_252 = tpu.vector_load %arg10[%get3A_250, %get3A_251] {strides = array<i32>} : memref<200x128xf32, #tpu.memory_space<vmem>>, vector<16xf32>,
          %swap3A_253 = arith.index_cast %add3A_247 : i32 to index
          %swap3A_254 = arith.constant 48 : index
          %swap3A_255 = tpu.vector_load %arg8[%swap3A_253, %swap3A_254] {strides = array<i32>} : memref<200x128xf32, #tpu.memory_space<vmem>>, vector<16xf32>,
          tpu.vector_store %arg8[%swap3A_253, %swap3A_254], %get3A_252 {add = true, strides = array<i32>} : memref<200x128xf32, #tpu.memory_space<vmem>>, vector<16xf32>,
          %add3A_256 = arith.constant 0 : i32
          %add3A_257 = arith.addi %add3A_256, %scan3A_217 : i32
          %add3A_258 = arith.constant 0 : i32
          %add3A_259 = arith.addi %add3A_258, %scan3A_217 : i32
          %get3A_260 = arith.index_cast %add3A_259 : i32 to index
          %get3A_261 = arith.constant 64 : index
          %get3A_262 = tpu.vector_load %arg10[%get3A_260, %get3A_261] {strides = array<i32>} : memref<200x128xf32, #tpu.memory_space<vmem>>, vector<16xf32>,
          %swap3A_263 = arith.index_cast %add3A_257 : i32 to index
          %swap3A_264 = arith.constant 64 : index
          %swap3A_265 = tpu.vector_load %arg8[%swap3A_263, %swap3A_264] {strides = array<i32>} : memref<200x128xf32, #tpu.memory_space<vmem>>, vector<16xf32>,
          tpu.vector_store %arg8[%swap3A_263, %swap3A_264], %get3A_262 {add = true, strides = array<i32>} : memref<200x128xf32, #tpu.memory_space<vmem>>, vector<16xf32>,
          %add3A_266 = arith.constant 0 : i32
          %add3A_267 = arith.addi %add3A_266, %scan3A_217 : i32
          %add3A_268 = arith.constant 0 : i32
          %add3A_269 = arith.addi %add3A_268, %scan3A_217 : i32
          %get3A_270 = arith.index_cast %add3A_269 : i32 to index
          %get3A_271 = arith.constant 80 : index
          %get3A_272 = tpu.vector_load %arg10[%get3A_270, %get3A_271] {strides = array<i32>} : memref<200x128xf32, #tpu.memory_space<vmem>>, vector<16xf32>,
          %swap3A_273 = arith.index_cast %add3A_267 : i32 to index
          %swap3A_274 = arith.constant 80 : index
          %swap3A_275 = tpu.vector_load %arg8[%swap3A_273, %swap3A_274] {strides = array<i32>} : memref<200x128xf32, #tpu.memory_space<vmem>>, vector<16xf32>,
          tpu.vector_store %arg8[%swap3A_273, %swap3A_274], %get3A_272 {add = true, strides = array<i32>} : memref<200x128xf32, #tpu.memory_space<vmem>>, vector<16xf32>,
          %add3A_276 = arith.constant 0 : i32
          %add3A_277 = arith.addi %add3A_276, %scan3A_217 : i32
          %add3A_278 = arith.constant 0 : i32
          %add3A_279 = arith.addi %add3A_278, %scan3A_217 : i32
          %get3A_280 = arith.index_cast %add3A_279 : i32 to index
          %get3A_281 = arith.constant 96 : index
          %get3A_282 = tpu.vector_load %arg10[%get3A_280, %get3A_281] {strides = array<i32>} : memref<200x128xf32, #tpu.memory_space<vmem>>, vector<16xf32>,
          %swap3A_283 = arith.index_cast %add3A_277 : i32 to index
          %swap3A_284 = arith.constant 96 : index
          %swap3A_285 = tpu.vector_load %arg8[%swap3A_283, %swap3A_284] {strides = array<i32>} : memref<200x128xf32, #tpu.memory_space<vmem>>, vector<16xf32>,
          tpu.vector_store %arg8[%swap3A_283, %swap3A_284], %get3A_282 {add = true, strides = array<i32>} : memref<200x128xf32, #tpu.memory_space<vmem>>, vector<16xf32>,
          %add3A_286 = arith.constant 0 : i32
          %add3A_287 = arith.addi %add3A_286, %scan3A_217 : i32
          %add3A_288 = arith.constant 0 : i32
          %add3A_289 = arith.addi %add3A_288, %scan3A_217 : i32
          %get3A_290 = arith.index_cast %add3A_289 : i32 to index
          %get3A_291 = arith.constant 112 : index
          %get3A_292 = tpu.vector_load %arg10[%get3A_290, %get3A_291] {strides = array<i32>} : memref<200x128xf32, #tpu.memory_space<vmem>>, vector<16xf32>,
          %swap3A_293 = arith.index_cast %add3A_287 : i32 to index
          %swap3A_294 = arith.constant 112 : index
          %swap3A_295 = tpu.vector_load %arg8[%swap3A_293, %swap3A_294] {strides = array<i32>} : memref<200x128xf32, #tpu.memory_space<vmem>>, vector<16xf32>,
          tpu.vector_store %arg8[%swap3A_293, %swap3A_294], %get3A_292 {add = true, strides = array<i32>} : memref<200x128xf32, #tpu.memory_space<vmem>>, vector<16xf32>,
        }
        %scan3A_138 = arith.constant 56 : i32
        %mul3A_139 = arith.constant 200 : i32
        %mul3A_140 = arith.muli %mul3A_58, %mul3A_139 : i32
        %add3A_141 = arith.addi %mul3A_2, %mul3A_140 : i32
        %add3A_142 = arith.constant 0 : i32
        %add3A_143 = arith.addi %add3A_141, %add3A_142 : i32
        %dma_start3A_144 = arith.constant 0 : i32
        %dma_start3A_145 = arith.constant 0 : i32
        %dma_start3A_146 = tpu.memref_slice %arg8[%dma_start3A_144, %dma_start3A_145] : memref<200x128xf32, #tpu.memory_space<vmem>> -> memref<56x128xf32, #tpu.memory_space<vmem>>
        %dma_start3A_147 = arith.constant 0 : i32
        %dma_start3A_148 = tpu.memref_slice %arg5[%add3A_143, %dma_start3A_147] : memref<819200x128xf32, #tpu.memory_space<hbm>> -> memref<56x128xf32, #tpu.memory_space<hbm>>
        %dma_start3A_149 = arith.constant 0 : i32
        %dma_start3A_150 = tpu.memref_slice %arg5[%add3A_143, %dma_start3A_149] : memref<819200x128xf32, #tpu.memory_space<hbm>> -> memref<56x128xf32, #tpu.memory_space<hbm>>
        %dma_start3A_151 = arith.constant 0 : i32
        %dma_start3A_152 = arith.constant 0 : i32
        %dma_start3A_153 = tpu.memref_slice %arg8[%dma_start3A_151, %dma_start3A_152] : memref<200x128xf32, #tpu.memory_space<vmem>> -> memref<56x128xf32, #tpu.memory_space<vmem>>
        tpu.enqueue_dma source(%dma_start3A_153 : memref<56x128xf32, #tpu.memory_space<vmem>>) target(%dma_start3A_150 : memref<56x128xf32, #tpu.memory_space<hbm>>) target_semaphore(%arg14 : memref<!tpu.dma_semaphore, #tpu.memory_space<semaphore_mem>>)
        %scan3A_154 = arith.constant 0 : i32
        %scan3A_155 = arith.constant 0 : i32
        %scan3A_156 = arith.constant 48 : i32
        %scan3A_157 = arith.addi %scan3A_155, %scan3A_156 : i32
        %scan3A_158 = arith.constant 1 : i32
        scf.for %scan3A_217 = %scan3A_155 to %scan3A_157 step %scan3A_158  : i32 {
          %add3A_218 = arith.constant 56 : i32
          %add3A_219 = arith.addi %add3A_218, %scan3A_217 : i32
          %add3A_220 = arith.constant 56 : i32
          %add3A_221 = arith.addi %add3A_220, %scan3A_217 : i32
          %get3A = arith.index_cast %add3A_221 : i32 to index
          %get3A_222 = arith.constant 0 : index
          %get3A_223 = tpu.vector_load %arg10[%get3A, %get3A_222] {strides = array<i32>} : memref<200x128xf32, #tpu.memory_space<vmem>>, vector<16xf32>,
          %swap3A = arith.index_cast %add3A_219 : i32 to index
          %swap3A_224 = arith.constant 0 : index
          %swap3A_225 = tpu.vector_load %arg8[%swap3A, %swap3A_224] {strides = array<i32>} : memref<200x128xf32, #tpu.memory_space<vmem>>, vector<16xf32>,
          tpu.vector_store %arg8[%swap3A, %swap3A_224], %get3A_223 {add = true, strides = array<i32>} : memref<200x128xf32, #tpu.memory_space<vmem>>, vector<16xf32>,
          %add3A_226 = arith.constant 56 : i32
          %add3A_227 = arith.addi %add3A_226, %scan3A_217 : i32
          %add3A_228 = arith.constant 56 : i32
          %add3A_229 = arith.addi %add3A_228, %scan3A_217 : i32
          %get3A_230 = arith.index_cast %add3A_229 : i32 to index
          %get3A_231 = arith.constant 16 : index
          %get3A_232 = tpu.vector_load %arg10[%get3A_230, %get3A_231] {strides = array<i32>} : memref<200x128xf32, #tpu.memory_space<vmem>>, vector<16xf32>,
          %swap3A_233 = arith.index_cast %add3A_227 : i32 to index
          %swap3A_234 = arith.constant 16 : index
          %swap3A_235 = tpu.vector_load %arg8[%swap3A_233, %swap3A_234] {strides = array<i32>} : memref<200x128xf32, #tpu.memory_space<vmem>>, vector<16xf32>,
          tpu.vector_store %arg8[%swap3A_233, %swap3A_234], %get3A_232 {add = true, strides = array<i32>} : memref<200x128xf32, #tpu.memory_space<vmem>>, vector<16xf32>,
          %add3A_236 = arith.constant 56 : i32
          %add3A_237 = arith.addi %add3A_236, %scan3A_217 : i32
          %add3A_238 = arith.constant 56 : i32
          %add3A_239 = arith.addi %add3A_238, %scan3A_217 : i32
          %get3A_240 = arith.index_cast %add3A_239 : i32 to index
          %get3A_241 = arith.constant 32 : index
          %get3A_242 = tpu.vector_load %arg10[%get3A_240, %get3A_241] {strides = array<i32>} : memref<200x128xf32, #tpu.memory_space<vmem>>, vector<16xf32>,
          %swap3A_243 = arith.index_cast %add3A_237 : i32 to index
          %swap3A_244 = arith.constant 32 : index
          %swap3A_245 = tpu.vector_load %arg8[%swap3A_243, %swap3A_244] {strides = array<i32>} : memref<200x128xf32, #tpu.memory_space<vmem>>, vector<16xf32>,
          tpu.vector_store %arg8[%swap3A_243, %swap3A_244], %get3A_242 {add = true, strides = array<i32>} : memref<200x128xf32, #tpu.memory_space<vmem>>, vector<16xf32>,
          %add3A_246 = arith.constant 56 : i32
          %add3A_247 = arith.addi %add3A_246, %scan3A_217 : i32
          %add3A_248 = arith.constant 56 : i32
          %add3A_249 = arith.addi %add3A_248, %scan3A_217 : i32
          %get3A_250 = arith.index_cast %add3A_249 : i32 to index
          %get3A_251 = arith.constant 48 : index
          %get3A_252 = tpu.vector_load %arg10[%get3A_250, %get3A_251] {strides = array<i32>} : memref<200x128xf32, #tpu.memory_space<vmem>>, vector<16xf32>,
          %swap3A_253 = arith.index_cast %add3A_247 : i32 to index
          %swap3A_254 = arith.constant 48 : index
          %swap3A_255 = tpu.vector_load %arg8[%swap3A_253, %swap3A_254] {strides = array<i32>} : memref<200x128xf32, #tpu.memory_space<vmem>>, vector<16xf32>,
          tpu.vector_store %arg8[%swap3A_253, %swap3A_254], %get3A_252 {add = true, strides = array<i32>} : memref<200x128xf32, #tpu.memory_space<vmem>>, vector<16xf32>,
          %add3A_256 = arith.constant 56 : i32
          %add3A_257 = arith.addi %add3A_256, %scan3A_217 : i32
          %add3A_258 = arith.constant 56 : i32
          %add3A_259 = arith.addi %add3A_258, %scan3A_217 : i32
          %get3A_260 = arith.index_cast %add3A_259 : i32 to index
          %get3A_261 = arith.constant 64 : index
          %get3A_262 = tpu.vector_load %arg10[%get3A_260, %get3A_261] {strides = array<i32>} : memref<200x128xf32, #tpu.memory_space<vmem>>, vector<16xf32>,
          %swap3A_263 = arith.index_cast %add3A_257 : i32 to index
          %swap3A_264 = arith.constant 64 : index
          %swap3A_265 = tpu.vector_load %arg8[%swap3A_263, %swap3A_264] {strides = array<i32>} : memref<200x128xf32, #tpu.memory_space<vmem>>, vector<16xf32>,
          tpu.vector_store %arg8[%swap3A_263, %swap3A_264], %get3A_262 {add = true, strides = array<i32>} : memref<200x128xf32, #tpu.memory_space<vmem>>, vector<16xf32>,
          %add3A_266 = arith.constant 56 : i32
          %add3A_267 = arith.addi %add3A_266, %scan3A_217 : i32
          %add3A_268 = arith.constant 56 : i32
          %add3A_269 = arith.addi %add3A_268, %scan3A_217 : i32
          %get3A_270 = arith.index_cast %add3A_269 : i32 to index
          %get3A_271 = arith.constant 80 : index
          %get3A_272 = tpu.vector_load %arg10[%get3A_270, %get3A_271] {strides = array<i32>} : memref<200x128xf32, #tpu.memory_space<vmem>>, vector<16xf32>,
          %swap3A_273 = arith.index_cast %add3A_267 : i32 to index
          %swap3A_274 = arith.constant 80 : index
          %swap3A_275 = tpu.vector_load %arg8[%swap3A_273, %swap3A_274] {strides = array<i32>} : memref<200x128xf32, #tpu.memory_space<vmem>>, vector<16xf32>,
          tpu.vector_store %arg8[%swap3A_273, %swap3A_274], %get3A_272 {add = true, strides = array<i32>} : memref<200x128xf32, #tpu.memory_space<vmem>>, vector<16xf32>,
          %add3A_276 = arith.constant 56 : i32
          %add3A_277 = arith.addi %add3A_276, %scan3A_217 : i32
          %add3A_278 = arith.constant 56 : i32
          %add3A_279 = arith.addi %add3A_278, %scan3A_217 : i32
          %get3A_280 = arith.index_cast %add3A_279 : i32 to index
          %get3A_281 = arith.constant 96 : index
          %get3A_282 = tpu.vector_load %arg10[%get3A_280, %get3A_281] {strides = array<i32>} : memref<200x128xf32, #tpu.memory_space<vmem>>, vector<16xf32>,
          %swap3A_283 = arith.index_cast %add3A_277 : i32 to index
          %swap3A_284 = arith.constant 96 : index
          %swap3A_285 = tpu.vector_load %arg8[%swap3A_283, %swap3A_284] {strides = array<i32>} : memref<200x128xf32, #tpu.memory_space<vmem>>, vector<16xf32>,
          tpu.vector_store %arg8[%swap3A_283, %swap3A_284], %get3A_282 {add = true, strides = array<i32>} : memref<200x128xf32, #tpu.memory_space<vmem>>, vector<16xf32>,
          %add3A_286 = arith.constant 56 : i32
          %add3A_287 = arith.addi %add3A_286, %scan3A_217 : i32
          %add3A_288 = arith.constant 56 : i32
          %add3A_289 = arith.addi %add3A_288, %scan3A_217 : i32
          %get3A_290 = arith.index_cast %add3A_289 : i32 to index
          %get3A_291 = arith.constant 112 : index
          %get3A_292 = tpu.vector_load %arg10[%get3A_290, %get3A_291] {strides = array<i32>} : memref<200x128xf32, #tpu.memory_space<vmem>>, vector<16xf32>,
          %swap3A_293 = arith.index_cast %add3A_287 : i32 to index
          %swap3A_294 = arith.constant 112 : index
          %swap3A_295 = tpu.vector_load %arg8[%swap3A_293, %swap3A_294] {strides = array<i32>} : memref<200x128xf32, #tpu.memory_space<vmem>>, vector<16xf32>,
          tpu.vector_store %arg8[%swap3A_293, %swap3A_294], %get3A_292 {add = true, strides = array<i32>} : memref<200x128xf32, #tpu.memory_space<vmem>>, vector<16xf32>,
        }
        %scan3A_159 = arith.constant 48 : i32
        %mul3A_160 = arith.constant 200 : i32
        %mul3A_161 = arith.muli %mul3A_58, %mul3A_160 : i32
        %add3A_162 = arith.addi %mul3A_2, %mul3A_161 : i32
        %add3A_163 = arith.constant 56 : i32
        %add3A_164 = arith.addi %add3A_162, %add3A_163 : i32
        %dma_start3A_165 = arith.constant 56 : i32
        %dma_start3A_166 = arith.constant 0 : i32
        %dma_start3A_167 = tpu.memref_slice %arg8[%dma_start3A_165, %dma_start3A_166] : memref<200x128xf32, #tpu.memory_space<vmem>> -> memref<48x128xf32, #tpu.memory_space<vmem>>
        %dma_start3A_168 = arith.constant 0 : i32
        %dma_start3A_169 = tpu.memref_slice %arg5[%add3A_164, %dma_start3A_168] : memref<819200x128xf32, #tpu.memory_space<hbm>> -> memref<48x128xf32, #tpu.memory_space<hbm>>
        %dma_start3A_170 = arith.constant 0 : i32
        %dma_start3A_171 = tpu.memref_slice %arg5[%add3A_164, %dma_start3A_170] : memref<819200x128xf32, #tpu.memory_space<hbm>> -> memref<48x128xf32, #tpu.memory_space<hbm>>
        %dma_start3A_172 = arith.constant 56 : i32
        %dma_start3A_173 = arith.constant 0 : i32
        %dma_start3A_174 = tpu.memref_slice %arg8[%dma_start3A_172, %dma_start3A_173] : memref<200x128xf32, #tpu.memory_space<vmem>> -> memref<48x128xf32, #tpu.memory_space<vmem>>
        tpu.enqueue_dma source(%dma_start3A_174 : memref<48x128xf32, #tpu.memory_space<vmem>>) target(%dma_start3A_171 : memref<48x128xf32, #tpu.memory_space<hbm>>) target_semaphore(%arg14 : memref<!tpu.dma_semaphore, #tpu.memory_space<semaphore_mem>>)
        %scan3A_175 = arith.constant 0 : i32
        %scan3A_176 = arith.constant 0 : i32
        %scan3A_177 = arith.constant 48 : i32
        %scan3A_178 = arith.addi %scan3A_176, %scan3A_177 : i32
        %scan3A_179 = arith.constant 1 : i32
        scf.for %scan3A_217 = %scan3A_176 to %scan3A_178 step %scan3A_179  : i32 {
          %add3A_218 = arith.constant 104 : i32
          %add3A_219 = arith.addi %add3A_218, %scan3A_217 : i32
          %add3A_220 = arith.constant 104 : i32
          %add3A_221 = arith.addi %add3A_220, %scan3A_217 : i32
          %get3A = arith.index_cast %add3A_221 : i32 to index
          %get3A_222 = arith.constant 0 : index
          %get3A_223 = tpu.vector_load %arg10[%get3A, %get3A_222] {strides = array<i32>} : memref<200x128xf32, #tpu.memory_space<vmem>>, vector<16xf32>,
          %swap3A = arith.index_cast %add3A_219 : i32 to index
          %swap3A_224 = arith.constant 0 : index
          %swap3A_225 = tpu.vector_load %arg8[%swap3A, %swap3A_224] {strides = array<i32>} : memref<200x128xf32, #tpu.memory_space<vmem>>, vector<16xf32>,
          tpu.vector_store %arg8[%swap3A, %swap3A_224], %get3A_223 {add = true, strides = array<i32>} : memref<200x128xf32, #tpu.memory_space<vmem>>, vector<16xf32>,
          %add3A_226 = arith.constant 104 : i32
          %add3A_227 = arith.addi %add3A_226, %scan3A_217 : i32
          %add3A_228 = arith.constant 104 : i32
          %add3A_229 = arith.addi %add3A_228, %scan3A_217 : i32
          %get3A_230 = arith.index_cast %add3A_229 : i32 to index
          %get3A_231 = arith.constant 16 : index
          %get3A_232 = tpu.vector_load %arg10[%get3A_230, %get3A_231] {strides = array<i32>} : memref<200x128xf32, #tpu.memory_space<vmem>>, vector<16xf32>,
          %swap3A_233 = arith.index_cast %add3A_227 : i32 to index
          %swap3A_234 = arith.constant 16 : index
          %swap3A_235 = tpu.vector_load %arg8[%swap3A_233, %swap3A_234] {strides = array<i32>} : memref<200x128xf32, #tpu.memory_space<vmem>>, vector<16xf32>,
          tpu.vector_store %arg8[%swap3A_233, %swap3A_234], %get3A_232 {add = true, strides = array<i32>} : memref<200x128xf32, #tpu.memory_space<vmem>>, vector<16xf32>,
          %add3A_236 = arith.constant 104 : i32
          %add3A_237 = arith.addi %add3A_236, %scan3A_217 : i32
          %add3A_238 = arith.constant 104 : i32
          %add3A_239 = arith.addi %add3A_238, %scan3A_217 : i32
          %get3A_240 = arith.index_cast %add3A_239 : i32 to index
          %get3A_241 = arith.constant 32 : index
          %get3A_242 = tpu.vector_load %arg10[%get3A_240, %get3A_241] {strides = array<i32>} : memref<200x128xf32, #tpu.memory_space<vmem>>, vector<16xf32>,
          %swap3A_243 = arith.index_cast %add3A_237 : i32 to index
          %swap3A_244 = arith.constant 32 : index
          %swap3A_245 = tpu.vector_load %arg8[%swap3A_243, %swap3A_244] {strides = array<i32>} : memref<200x128xf32, #tpu.memory_space<vmem>>, vector<16xf32>,
          tpu.vector_store %arg8[%swap3A_243, %swap3A_244], %get3A_242 {add = true, strides = array<i32>} : memref<200x128xf32, #tpu.memory_space<vmem>>, vector<16xf32>,
          %add3A_246 = arith.constant 104 : i32
          %add3A_247 = arith.addi %add3A_246, %scan3A_217 : i32
          %add3A_248 = arith.constant 104 : i32
          %add3A_249 = arith.addi %add3A_248, %scan3A_217 : i32
          %get3A_250 = arith.index_cast %add3A_249 : i32 to index
          %get3A_251 = arith.constant 48 : index
          %get3A_252 = tpu.vector_load %arg10[%get3A_250, %get3A_251] {strides = array<i32>} : memref<200x128xf32, #tpu.memory_space<vmem>>, vector<16xf32>,
          %swap3A_253 = arith.index_cast %add3A_247 : i32 to index
          %swap3A_254 = arith.constant 48 : index
          %swap3A_255 = tpu.vector_load %arg8[%swap3A_253, %swap3A_254] {strides = array<i32>} : memref<200x128xf32, #tpu.memory_space<vmem>>, vector<16xf32>,
          tpu.vector_store %arg8[%swap3A_253, %swap3A_254], %get3A_252 {add = true, strides = array<i32>} : memref<200x128xf32, #tpu.memory_space<vmem>>, vector<16xf32>,
          %add3A_256 = arith.constant 104 : i32
          %add3A_257 = arith.addi %add3A_256, %scan3A_217 : i32
          %add3A_258 = arith.constant 104 : i32
          %add3A_259 = arith.addi %add3A_258, %scan3A_217 : i32
          %get3A_260 = arith.index_cast %add3A_259 : i32 to index
          %get3A_261 = arith.constant 64 : index
          %get3A_262 = tpu.vector_load %arg10[%get3A_260, %get3A_261] {strides = array<i32>} : memref<200x128xf32, #tpu.memory_space<vmem>>, vector<16xf32>,
          %swap3A_263 = arith.index_cast %add3A_257 : i32 to index
          %swap3A_264 = arith.constant 64 : index
          %swap3A_265 = tpu.vector_load %arg8[%swap3A_263, %swap3A_264] {strides = array<i32>} : memref<200x128xf32, #tpu.memory_space<vmem>>, vector<16xf32>,
          tpu.vector_store %arg8[%swap3A_263, %swap3A_264], %get3A_262 {add = true, strides = array<i32>} : memref<200x128xf32, #tpu.memory_space<vmem>>, vector<16xf32>,
          %add3A_266 = arith.constant 104 : i32
          %add3A_267 = arith.addi %add3A_266, %scan3A_217 : i32
          %add3A_268 = arith.constant 104 : i32
          %add3A_269 = arith.addi %add3A_268, %scan3A_217 : i32
          %get3A_270 = arith.index_cast %add3A_269 : i32 to index
          %get3A_271 = arith.constant 80 : index
          %get3A_272 = tpu.vector_load %arg10[%get3A_270, %get3A_271] {strides = array<i32>} : memref<200x128xf32, #tpu.memory_space<vmem>>, vector<16xf32>,
          %swap3A_273 = arith.index_cast %add3A_267 : i32 to index
          %swap3A_274 = arith.constant 80 : index
          %swap3A_275 = tpu.vector_load %arg8[%swap3A_273, %swap3A_274] {strides = array<i32>} : memref<200x128xf32, #tpu.memory_space<vmem>>, vector<16xf32>,
          tpu.vector_store %arg8[%swap3A_273, %swap3A_274], %get3A_272 {add = true, strides = array<i32>} : memref<200x128xf32, #tpu.memory_space<vmem>>, vector<16xf32>,
          %add3A_276 = arith.constant 104 : i32
          %add3A_277 = arith.addi %add3A_276, %scan3A_217 : i32
          %add3A_278 = arith.constant 104 : i32
          %add3A_279 = arith.addi %add3A_278, %scan3A_217 : i32
          %get3A_280 = arith.index_cast %add3A_279 : i32 to index
          %get3A_281 = arith.constant 96 : index
          %get3A_282 = tpu.vector_load %arg10[%get3A_280, %get3A_281] {strides = array<i32>} : memref<200x128xf32, #tpu.memory_space<vmem>>, vector<16xf32>,
          %swap3A_283 = arith.index_cast %add3A_277 : i32 to index
          %swap3A_284 = arith.constant 96 : index
          %swap3A_285 = tpu.vector_load %arg8[%swap3A_283, %swap3A_284] {strides = array<i32>} : memref<200x128xf32, #tpu.memory_space<vmem>>, vector<16xf32>,
          tpu.vector_store %arg8[%swap3A_283, %swap3A_284], %get3A_282 {add = true, strides = array<i32>} : memref<200x128xf32, #tpu.memory_space<vmem>>, vector<16xf32>,
          %add3A_286 = arith.constant 104 : i32
          %add3A_287 = arith.addi %add3A_286, %scan3A_217 : i32
          %add3A_288 = arith.constant 104 : i32
          %add3A_289 = arith.addi %add3A_288, %scan3A_217 : i32
          %get3A_290 = arith.index_cast %add3A_289 : i32 to index
          %get3A_291 = arith.constant 112 : index
          %get3A_292 = tpu.vector_load %arg10[%get3A_290, %get3A_291] {strides = array<i32>} : memref<200x128xf32, #tpu.memory_space<vmem>>, vector<16xf32>,
          %swap3A_293 = arith.index_cast %add3A_287 : i32 to index
          %swap3A_294 = arith.constant 112 : index
          %swap3A_295 = tpu.vector_load %arg8[%swap3A_293, %swap3A_294] {strides = array<i32>} : memref<200x128xf32, #tpu.memory_space<vmem>>, vector<16xf32>,
          tpu.vector_store %arg8[%swap3A_293, %swap3A_294], %get3A_292 {add = true, strides = array<i32>} : memref<200x128xf32, #tpu.memory_space<vmem>>, vector<16xf32>,
        }
        %scan3A_180 = arith.constant 48 : i32
        %mul3A_181 = arith.constant 200 : i32
        %mul3A_182 = arith.muli %mul3A_58, %mul3A_181 : i32
        %add3A_183 = arith.addi %mul3A_2, %mul3A_182 : i32
        %add3A_184 = arith.constant 104 : i32
        %add3A_185 = arith.addi %add3A_183, %add3A_184 : i32
        %dma_start3A_186 = arith.constant 104 : i32
        %dma_start3A_187 = arith.constant 0 : i32
        %dma_start3A_188 = tpu.memref_slice %arg8[%dma_start3A_186, %dma_start3A_187] : memref<200x128xf32, #tpu.memory_space<vmem>> -> memref<48x128xf32, #tpu.memory_space<vmem>>
        %dma_start3A_189 = arith.constant 0 : i32
        %dma_start3A_190 = tpu.memref_slice %arg5[%add3A_185, %dma_start3A_189] : memref<819200x128xf32, #tpu.memory_space<hbm>> -> memref<48x128xf32, #tpu.memory_space<hbm>>
        %dma_start3A_191 = arith.constant 0 : i32
        %dma_start3A_192 = tpu.memref_slice %arg5[%add3A_185, %dma_start3A_191] : memref<819200x128xf32, #tpu.memory_space<hbm>> -> memref<48x128xf32, #tpu.memory_space<hbm>>
        %dma_start3A_193 = arith.constant 104 : i32
        %dma_start3A_194 = arith.constant 0 : i32
        %dma_start3A_195 = tpu.memref_slice %arg8[%dma_start3A_193, %dma_start3A_194] : memref<200x128xf32, #tpu.memory_space<vmem>> -> memref<48x128xf32, #tpu.memory_space<vmem>>
        tpu.enqueue_dma source(%dma_start3A_195 : memref<48x128xf32, #tpu.memory_space<vmem>>) target(%dma_start3A_192 : memref<48x128xf32, #tpu.memory_space<hbm>>) target_semaphore(%arg14 : memref<!tpu.dma_semaphore, #tpu.memory_space<semaphore_mem>>)
        %scan3A_196 = arith.constant 0 : i32
        %scan3A_197 = arith.constant 0 : i32
        %scan3A_198 = arith.constant 48 : i32
        %scan3A_199 = arith.addi %scan3A_197, %scan3A_198 : i32
        %scan3A_200 = arith.constant 1 : i32
        scf.for %scan3A_217 = %scan3A_197 to %scan3A_199 step %scan3A_200  : i32 {
          %add3A_218 = arith.constant 152 : i32
          %add3A_219 = arith.addi %add3A_218, %scan3A_217 : i32
          %add3A_220 = arith.constant 152 : i32
          %add3A_221 = arith.addi %add3A_220, %scan3A_217 : i32
          %get3A = arith.index_cast %add3A_221 : i32 to index
          %get3A_222 = arith.constant 0 : index
          %get3A_223 = tpu.vector_load %arg10[%get3A, %get3A_222] {strides = array<i32>} : memref<200x128xf32, #tpu.memory_space<vmem>>, vector<16xf32>,
          %swap3A = arith.index_cast %add3A_219 : i32 to index
          %swap3A_224 = arith.constant 0 : index
          %swap3A_225 = tpu.vector_load %arg8[%swap3A, %swap3A_224] {strides = array<i32>} : memref<200x128xf32, #tpu.memory_space<vmem>>, vector<16xf32>,
          tpu.vector_store %arg8[%swap3A, %swap3A_224], %get3A_223 {add = true, strides = array<i32>} : memref<200x128xf32, #tpu.memory_space<vmem>>, vector<16xf32>,
          %add3A_226 = arith.constant 152 : i32
          %add3A_227 = arith.addi %add3A_226, %scan3A_217 : i32
          %add3A_228 = arith.constant 152 : i32
          %add3A_229 = arith.addi %add3A_228, %scan3A_217 : i32
          %get3A_230 = arith.index_cast %add3A_229 : i32 to index
          %get3A_231 = arith.constant 16 : index
          %get3A_232 = tpu.vector_load %arg10[%get3A_230, %get3A_231] {strides = array<i32>} : memref<200x128xf32, #tpu.memory_space<vmem>>, vector<16xf32>,
          %swap3A_233 = arith.index_cast %add3A_227 : i32 to index
          %swap3A_234 = arith.constant 16 : index
          %swap3A_235 = tpu.vector_load %arg8[%swap3A_233, %swap3A_234] {strides = array<i32>} : memref<200x128xf32, #tpu.memory_space<vmem>>, vector<16xf32>,
          tpu.vector_store %arg8[%swap3A_233, %swap3A_234], %get3A_232 {add = true, strides = array<i32>} : memref<200x128xf32, #tpu.memory_space<vmem>>, vector<16xf32>,
          %add3A_236 = arith.constant 152 : i32
          %add3A_237 = arith.addi %add3A_236, %scan3A_217 : i32
          %add3A_238 = arith.constant 152 : i32
          %add3A_239 = arith.addi %add3A_238, %scan3A_217 : i32
          %get3A_240 = arith.index_cast %add3A_239 : i32 to index
          %get3A_241 = arith.constant 32 : index
          %get3A_242 = tpu.vector_load %arg10[%get3A_240, %get3A_241] {strides = array<i32>} : memref<200x128xf32, #tpu.memory_space<vmem>>, vector<16xf32>,
          %swap3A_243 = arith.index_cast %add3A_237 : i32 to index
          %swap3A_244 = arith.constant 32 : index
          %swap3A_245 = tpu.vector_load %arg8[%swap3A_243, %swap3A_244] {strides = array<i32>} : memref<200x128xf32, #tpu.memory_space<vmem>>, vector<16xf32>,
          tpu.vector_store %arg8[%swap3A_243, %swap3A_244], %get3A_242 {add = true, strides = array<i32>} : memref<200x128xf32, #tpu.memory_space<vmem>>, vector<16xf32>,
          %add3A_246 = arith.constant 152 : i32
          %add3A_247 = arith.addi %add3A_246, %scan3A_217 : i32
          %add3A_248 = arith.constant 152 : i32
          %add3A_249 = arith.addi %add3A_248, %scan3A_217 : i32
          %get3A_250 = arith.index_cast %add3A_249 : i32 to index
          %get3A_251 = arith.constant 48 : index
          %get3A_252 = tpu.vector_load %arg10[%get3A_250, %get3A_251] {strides = array<i32>} : memref<200x128xf32, #tpu.memory_space<vmem>>, vector<16xf32>,
          %swap3A_253 = arith.index_cast %add3A_247 : i32 to index
          %swap3A_254 = arith.constant 48 : index
          %swap3A_255 = tpu.vector_load %arg8[%swap3A_253, %swap3A_254] {strides = array<i32>} : memref<200x128xf32, #tpu.memory_space<vmem>>, vector<16xf32>,
          tpu.vector_store %arg8[%swap3A_253, %swap3A_254], %get3A_252 {add = true, strides = array<i32>} : memref<200x128xf32, #tpu.memory_space<vmem>>, vector<16xf32>,
          %add3A_256 = arith.constant 152 : i32
          %add3A_257 = arith.addi %add3A_256, %scan3A_217 : i32
          %add3A_258 = arith.constant 152 : i32
          %add3A_259 = arith.addi %add3A_258, %scan3A_217 : i32
          %get3A_260 = arith.index_cast %add3A_259 : i32 to index
          %get3A_261 = arith.constant 64 : index
          %get3A_262 = tpu.vector_load %arg10[%get3A_260, %get3A_261] {strides = array<i32>} : memref<200x128xf32, #tpu.memory_space<vmem>>, vector<16xf32>,
          %swap3A_263 = arith.index_cast %add3A_257 : i32 to index
          %swap3A_264 = arith.constant 64 : index
          %swap3A_265 = tpu.vector_load %arg8[%swap3A_263, %swap3A_264] {strides = array<i32>} : memref<200x128xf32, #tpu.memory_space<vmem>>, vector<16xf32>,
          tpu.vector_store %arg8[%swap3A_263, %swap3A_264], %get3A_262 {add = true, strides = array<i32>} : memref<200x128xf32, #tpu.memory_space<vmem>>, vector<16xf32>,
          %add3A_266 = arith.constant 152 : i32
          %add3A_267 = arith.addi %add3A_266, %scan3A_217 : i32
          %add3A_268 = arith.constant 152 : i32
          %add3A_269 = arith.addi %add3A_268, %scan3A_217 : i32
          %get3A_270 = arith.index_cast %add3A_269 : i32 to index
          %get3A_271 = arith.constant 80 : index
          %get3A_272 = tpu.vector_load %arg10[%get3A_270, %get3A_271] {strides = array<i32>} : memref<200x128xf32, #tpu.memory_space<vmem>>, vector<16xf32>,
          %swap3A_273 = arith.index_cast %add3A_267 : i32 to index
          %swap3A_274 = arith.constant 80 : index
          %swap3A_275 = tpu.vector_load %arg8[%swap3A_273, %swap3A_274] {strides = array<i32>} : memref<200x128xf32, #tpu.memory_space<vmem>>, vector<16xf32>,
          tpu.vector_store %arg8[%swap3A_273, %swap3A_274], %get3A_272 {add = true, strides = array<i32>} : memref<200x128xf32, #tpu.memory_space<vmem>>, vector<16xf32>,
          %add3A_276 = arith.constant 152 : i32
          %add3A_277 = arith.addi %add3A_276, %scan3A_217 : i32
          %add3A_278 = arith.constant 152 : i32
          %add3A_279 = arith.addi %add3A_278, %scan3A_217 : i32
          %get3A_280 = arith.index_cast %add3A_279 : i32 to index
          %get3A_281 = arith.constant 96 : index
          %get3A_282 = tpu.vector_load %arg10[%get3A_280, %get3A_281] {strides = array<i32>} : memref<200x128xf32, #tpu.memory_space<vmem>>, vector<16xf32>,
          %swap3A_283 = arith.index_cast %add3A_277 : i32 to index
          %swap3A_284 = arith.constant 96 : index
          %swap3A_285 = tpu.vector_load %arg8[%swap3A_283, %swap3A_284] {strides = array<i32>} : memref<200x128xf32, #tpu.memory_space<vmem>>, vector<16xf32>,
          tpu.vector_store %arg8[%swap3A_283, %swap3A_284], %get3A_282 {add = true, strides = array<i32>} : memref<200x128xf32, #tpu.memory_space<vmem>>, vector<16xf32>,
          %add3A_286 = arith.constant 152 : i32
          %add3A_287 = arith.addi %add3A_286, %scan3A_217 : i32
          %add3A_288 = arith.constant 152 : i32
          %add3A_289 = arith.addi %add3A_288, %scan3A_217 : i32
          %get3A_290 = arith.index_cast %add3A_289 : i32 to index
          %get3A_291 = arith.constant 112 : index
          %get3A_292 = tpu.vector_load %arg10[%get3A_290, %get3A_291] {strides = array<i32>} : memref<200x128xf32, #tpu.memory_space<vmem>>, vector<16xf32>,
          %swap3A_293 = arith.index_cast %add3A_287 : i32 to index
          %swap3A_294 = arith.constant 112 : index
          %swap3A_295 = tpu.vector_load %arg8[%swap3A_293, %swap3A_294] {strides = array<i32>} : memref<200x128xf32, #tpu.memory_space<vmem>>, vector<16xf32>,
          tpu.vector_store %arg8[%swap3A_293, %swap3A_294], %get3A_292 {add = true, strides = array<i32>} : memref<200x128xf32, #tpu.memory_space<vmem>>, vector<16xf32>,
        }
        %scan3A_201 = arith.constant 48 : i32
        %mul3A_202 = arith.constant 200 : i32
        %mul3A_203 = arith.muli %mul3A_58, %mul3A_202 : i32
        %add3A_204 = arith.addi %mul3A_2, %mul3A_203 : i32
        %add3A_205 = arith.constant 152 : i32
        %add3A_206 = arith.addi %add3A_204, %add3A_205 : i32
        %dma_start3A_207 = arith.constant 152 : i32
        %dma_start3A_208 = arith.constant 0 : i32
        %dma_start3A_209 = tpu.memref_slice %arg8[%dma_start3A_207, %dma_start3A_208] : memref<200x128xf32, #tpu.memory_space<vmem>> -> memref<48x128xf32, #tpu.memory_space<vmem>>
        %dma_start3A_210 = arith.constant 0 : i32
        %dma_start3A_211 = tpu.memref_slice %arg5[%add3A_206, %dma_start3A_210] : memref<819200x128xf32, #tpu.memory_space<hbm>> -> memref<48x128xf32, #tpu.memory_space<hbm>>
        %dma_start3A_212 = arith.constant 0 : i32
        %dma_start3A_213 = tpu.memref_slice %arg5[%add3A_206, %dma_start3A_212] : memref<819200x128xf32, #tpu.memory_space<hbm>> -> memref<48x128xf32, #tpu.memory_space<hbm>>
        %dma_start3A_214 = arith.constant 152 : i32
        %dma_start3A_215 = arith.constant 0 : i32
        %dma_start3A_216 = tpu.memref_slice %arg8[%dma_start3A_214, %dma_start3A_215] : memref<200x128xf32, #tpu.memory_space<vmem>> -> memref<48x128xf32, #tpu.memory_space<vmem>>
        tpu.enqueue_dma source(%dma_start3A_216 : memref<48x128xf32, #tpu.memory_space<vmem>>) target(%dma_start3A_213 : memref<48x128xf32, #tpu.memory_space<hbm>>) target_semaphore(%arg14 : memref<!tpu.dma_semaphore, #tpu.memory_space<semaphore_mem>>)
      } else {
      }
      %gt3A = arith.constant 0 : i32
      %gt3A_87 = arith.cmpi sgt, %scan3A_56, %gt3A : i32
      %convert_element_type3A_88 = arith.extui %gt3A_87 : i1 to i32
      %cond3A_89 = arith.constant 0 : i32
      %cond3A_90 = arith.cmpi ne, %convert_element_type3A_88, %cond3A_89 : i32
      scf.if %cond3A_90 {
        %scan3A_133 = arith.constant 0 : i32
        %scan3A_134 = arith.constant 0 : i32
        %scan3A_135 = arith.constant 13 : i32
        %scan3A_136 = arith.addi %scan3A_134, %scan3A_135 : i32
        %scan3A_137 = arith.constant 1 : i32
        scf.for %scan3A_176 = %scan3A_134 to %scan3A_136 step %scan3A_137  : i32 {
          %mul3A_177 = arith.constant 16 : i32
          %mul3A_178 = arith.muli %scan3A_176, %mul3A_177 : i32
          %min3A_179 = arith.constant 184 : i32
          %min3A_180 = arith.minsi %mul3A_178, %min3A_179 : i32
          %mul3A_181 = arith.constant 200 : i32
          %mul3A_182 = arith.muli %mul3A_58, %mul3A_181 : i32
          %add3A_183 = arith.addi %mul3A_182, %min3A_180 : i32
          %get3A = arith.index_cast %add3A_183 : i32 to index
          %get3A_184 = tpu.vector_load %arg6[%get3A] {strides = array<i32>} : memref<25600xi32, #tpu.memory_space<vmem>>, vector<16xi32>,
          %iota3A = tpu.iota {dimensions = array<i32: 0>} : vector<16xi32>
          %add3A_185 = vector.broadcast %min3A_180 : i32 to vector<16xi32>
          %add3A_186 = arith.addi %iota3A, %add3A_185 : vector<16xi32>
          %ge3A = arith.constant 200 : i32
          %ge3A_187 = vector.broadcast %ge3A : i32 to vector<16xi32>
          %ge3A_188 = arith.cmpi sge, %add3A_186, %ge3A_187 : vector<16xi32>
          %sub3A = arith.constant 200 : i32
          %sub3A_189 = vector.broadcast %sub3A : i32 to vector<16xi32>
          %sub3A_190 = arith.subi %add3A_186, %sub3A_189 : vector<16xi32>
          %select_n3A = arith.select %ge3A_188, %sub3A_190, %add3A_186 : vector<16xi1>, vector<16xi32>
          %add3A_191 = arith.constant 1 : i32
          %add3A_192 = vector.broadcast %add3A_191 : i32 to vector<16xi32>
          %add3A_193 = arith.addi %select_n3A, %add3A_192 : vector<16xi32>
          %eq3A_194 = arith.constant 0 : i32
          %eq3A_195 = vector.broadcast %eq3A_194 : i32 to vector<16xi32>
          %eq3A_196 = arith.cmpi eq, %get3A_184, %eq3A_195 : vector<16xi32>
          %jit3A = arith.constant 0 : i32
          %broadcast_in_dim3A_197 = vector.broadcast %jit3A : i32 to vector<16xi32>
          %select_n3A_198 = arith.select %eq3A_196, %broadcast_in_dim3A_197, %add3A_193 : vector<16xi1>, vector<16xi32>
          %swap3A = arith.index_cast %min3A_180 : i32 to index
          %swap3A_199 = tpu.vector_load %arg7[%swap3A] {strides = array<i32>} : memref<200xi32, #tpu.memory_space<vmem>>, vector<16xi32>,
          tpu.vector_store %arg7[%swap3A], %select_n3A_198 {strides = array<i32>} : memref<200xi32, #tpu.memory_space<vmem>>, vector<16xi32>,
        }
        %scan3A_138 = arith.constant 13 : i32
        %dma_start3A_139 = arith.constant 0 : i32
        %dma_start3A_140 = arith.constant 0 : i32
        %dma_start3A_141 = tpu.memref_slice %arg11[%dma_start3A_139, %dma_start3A_140] : memref<200x128xf32, #tpu.memory_space<vmem>> -> memref<200x128xf32, #tpu.memory_space<vmem>>
        %dma_start3A_142 = arith.constant 0 : i32
        %dma_start3A_143 = tpu.memref_slice %arg7[%dma_start3A_142] : memref<200xi32, #tpu.memory_space<vmem>> -> memref<200xi32, #tpu.memory_space<vmem>>
        %dma_start3A_144 = arith.constant 0 : i32
        %dma_start3A_145 = arith.constant 0 : i32
        %dma_start3A_146 = tpu.memref_slice %arg4[%dma_start3A_144, %dma_start3A_145] : memref<208x128xf32, #tpu.memory_space<hbm>> -> memref<208x128xf32, #tpu.memory_space<hbm>>
        tpu.enqueue_indirect_dma source(%dma_start3A_146 : memref<208x128xf32, #tpu.memory_space<hbm>>) target(%dma_start3A_141 : memref<200x128xf32, #tpu.memory_space<vmem>>) offsets(%dma_start3A_143 : memref<200xi32, #tpu.memory_space<vmem>>) semaphore(%arg16 : memref<!tpu.dma_semaphore, #tpu.memory_space<semaphore_mem>>)
        %dma_wait3A_147 = arith.constant 0 : i32
        %dma_wait3A_148 = arith.constant 0 : i32
        %dma_wait3A_149 = tpu.memref_slice %arg11[%dma_wait3A_147, %dma_wait3A_148] : memref<200x128xf32, #tpu.memory_space<vmem>> -> memref<200x128xf32, #tpu.memory_space<vmem>>
        %dma_wait3A_150 = arith.constant 0 : i32
        %dma_wait3A_151 = tpu.memref_slice %arg7[%dma_wait3A_150] : memref<200xi32, #tpu.memory_space<vmem>> -> memref<200xi32, #tpu.memory_space<vmem>>
        %dma_wait3A_152 = arith.constant 0 : i32
        %dma_wait3A_153 = arith.constant 0 : i32
        %dma_wait3A_154 = tpu.memref_slice %arg4[%dma_wait3A_152, %dma_wait3A_153] : memref<208x128xf32, #tpu.memory_space<hbm>> -> memref<208x128xf32, #tpu.memory_space<hbm>>
        tpu.wait_indirect_dma semaphore(%arg16 : memref<!tpu.dma_semaphore, #tpu.memory_space<semaphore_mem>>) src(%dma_wait3A_154 : memref<208x128xf32, #tpu.memory_space<hbm>>) dst(%dma_wait3A_149 : memref<200x128xf32, #tpu.memory_space<vmem>>)
        %scan3A_155 = arith.constant 0 : i32
        %scan3A_156 = arith.constant 0 : i32
        %scan3A_157 = arith.constant 200 : i32
        %scan3A_158 = arith.addi %scan3A_156, %scan3A_157 : i32
        %scan3A_159 = arith.constant 1 : i32
        scf.for %scan3A_176 = %scan3A_156 to %scan3A_158 step %scan3A_159  : i32 {
          %add3A_177 = arith.constant 0 : i32
          %add3A_178 = arith.addi %add3A_177, %scan3A_176 : i32
          %get3A = arith.index_cast %scan3A_176 : i32 to index
          %get3A_179 = arith.constant 0 : index
          %get3A_180 = tpu.vector_load %arg11[%get3A, %get3A_179] {strides = array<i32>} : memref<200x128xf32, #tpu.memory_space<vmem>>, vector<16xf32>,
          %swap3A = arith.index_cast %add3A_178 : i32 to index
          %swap3A_181 = arith.constant 0 : index
          %swap3A_182 = tpu.vector_load %arg8[%swap3A, %swap3A_181] {strides = array<i32>} : memref<200x128xf32, #tpu.memory_space<vmem>>, vector<16xf32>,
          tpu.vector_store %arg8[%swap3A, %swap3A_181], %get3A_180 {add = true, strides = array<i32>} : memref<200x128xf32, #tpu.memory_space<vmem>>, vector<16xf32>,
          %add3A_183 = arith.constant 0 : i32
          %add3A_184 = arith.addi %add3A_183, %scan3A_176 : i32
          %get3A_185 = arith.index_cast %scan3A_176 : i32 to index
          %get3A_186 = arith.constant 16 : index
          %get3A_187 = tpu.vector_load %arg11[%get3A_185, %get3A_186] {strides = array<i32>} : memref<200x128xf32, #tpu.memory_space<vmem>>, vector<16xf32>,
          %swap3A_188 = arith.index_cast %add3A_184 : i32 to index
          %swap3A_189 = arith.constant 16 : index
          %swap3A_190 = tpu.vector_load %arg8[%swap3A_188, %swap3A_189] {strides = array<i32>} : memref<200x128xf32, #tpu.memory_space<vmem>>, vector<16xf32>,
          tpu.vector_store %arg8[%swap3A_188, %swap3A_189], %get3A_187 {add = true, strides = array<i32>} : memref<200x128xf32, #tpu.memory_space<vmem>>, vector<16xf32>,
          %add3A_191 = arith.constant 0 : i32
          %add3A_192 = arith.addi %add3A_191, %scan3A_176 : i32
          %get3A_193 = arith.index_cast %scan3A_176 : i32 to index
          %get3A_194 = arith.constant 32 : index
          %get3A_195 = tpu.vector_load %arg11[%get3A_193, %get3A_194] {strides = array<i32>} : memref<200x128xf32, #tpu.memory_space<vmem>>, vector<16xf32>,
          %swap3A_196 = arith.index_cast %add3A_192 : i32 to index
          %swap3A_197 = arith.constant 32 : index
          %swap3A_198 = tpu.vector_load %arg8[%swap3A_196, %swap3A_197] {strides = array<i32>} : memref<200x128xf32, #tpu.memory_space<vmem>>, vector<16xf32>,
          tpu.vector_store %arg8[%swap3A_196, %swap3A_197], %get3A_195 {add = true, strides = array<i32>} : memref<200x128xf32, #tpu.memory_space<vmem>>, vector<16xf32>,
          %add3A_199 = arith.constant 0 : i32
          %add3A_200 = arith.addi %add3A_199, %scan3A_176 : i32
          %get3A_201 = arith.index_cast %scan3A_176 : i32 to index
          %get3A_202 = arith.constant 48 : index
          %get3A_203 = tpu.vector_load %arg11[%get3A_201, %get3A_202] {strides = array<i32>} : memref<200x128xf32, #tpu.memory_space<vmem>>, vector<16xf32>,
          %swap3A_204 = arith.index_cast %add3A_200 : i32 to index
          %swap3A_205 = arith.constant 48 : index
          %swap3A_206 = tpu.vector_load %arg8[%swap3A_204, %swap3A_205] {strides = array<i32>} : memref<200x128xf32, #tpu.memory_space<vmem>>, vector<16xf32>,
          tpu.vector_store %arg8[%swap3A_204, %swap3A_205], %get3A_203 {add = true, strides = array<i32>} : memref<200x128xf32, #tpu.memory_space<vmem>>, vector<16xf32>,
          %add3A_207 = arith.constant 0 : i32
          %add3A_208 = arith.addi %add3A_207, %scan3A_176 : i32
          %get3A_209 = arith.index_cast %scan3A_176 : i32 to index
          %get3A_210 = arith.constant 64 : index
          %get3A_211 = tpu.vector_load %arg11[%get3A_209, %get3A_210] {strides = array<i32>} : memref<200x128xf32, #tpu.memory_space<vmem>>, vector<16xf32>,
          %swap3A_212 = arith.index_cast %add3A_208 : i32 to index
          %swap3A_213 = arith.constant 64 : index
          %swap3A_214 = tpu.vector_load %arg8[%swap3A_212, %swap3A_213] {strides = array<i32>} : memref<200x128xf32, #tpu.memory_space<vmem>>, vector<16xf32>,
          tpu.vector_store %arg8[%swap3A_212, %swap3A_213], %get3A_211 {add = true, strides = array<i32>} : memref<200x128xf32, #tpu.memory_space<vmem>>, vector<16xf32>,
          %add3A_215 = arith.constant 0 : i32
          %add3A_216 = arith.addi %add3A_215, %scan3A_176 : i32
          %get3A_217 = arith.index_cast %scan3A_176 : i32 to index
          %get3A_218 = arith.constant 80 : index
          %get3A_219 = tpu.vector_load %arg11[%get3A_217, %get3A_218] {strides = array<i32>} : memref<200x128xf32, #tpu.memory_space<vmem>>, vector<16xf32>,
          %swap3A_220 = arith.index_cast %add3A_216 : i32 to index
          %swap3A_221 = arith.constant 80 : index
          %swap3A_222 = tpu.vector_load %arg8[%swap3A_220, %swap3A_221] {strides = array<i32>} : memref<200x128xf32, #tpu.memory_space<vmem>>, vector<16xf32>,
          tpu.vector_store %arg8[%swap3A_220, %swap3A_221], %get3A_219 {add = true, strides = array<i32>} : memref<200x128xf32, #tpu.memory_space<vmem>>, vector<16xf32>,
          %add3A_223 = arith.constant 0 : i32
          %add3A_224 = arith.addi %add3A_223, %scan3A_176 : i32
          %get3A_225 = arith.index_cast %scan3A_176 : i32 to index
          %get3A_226 = arith.constant 96 : index
          %get3A_227 = tpu.vector_load %arg11[%get3A_225, %get3A_226] {strides = array<i32>} : memref<200x128xf32, #tpu.memory_space<vmem>>, vector<16xf32>,
          %swap3A_228 = arith.index_cast %add3A_224 : i32 to index
          %swap3A_229 = arith.constant 96 : index
          %swap3A_230 = tpu.vector_load %arg8[%swap3A_228, %swap3A_229] {strides = array<i32>} : memref<200x128xf32, #tpu.memory_space<vmem>>, vector<16xf32>,
          tpu.vector_store %arg8[%swap3A_228, %swap3A_229], %get3A_227 {add = true, strides = array<i32>} : memref<200x128xf32, #tpu.memory_space<vmem>>, vector<16xf32>,
          %add3A_231 = arith.constant 0 : i32
          %add3A_232 = arith.addi %add3A_231, %scan3A_176 : i32
          %get3A_233 = arith.index_cast %scan3A_176 : i32 to index
          %get3A_234 = arith.constant 112 : index
          %get3A_235 = tpu.vector_load %arg11[%get3A_233, %get3A_234] {strides = array<i32>} : memref<200x128xf32, #tpu.memory_space<vmem>>, vector<16xf32>,
          %swap3A_236 = arith.index_cast %add3A_232 : i32 to index
          %swap3A_237 = arith.constant 112 : index
          %swap3A_238 = tpu.vector_load %arg8[%swap3A_236, %swap3A_237] {strides = array<i32>} : memref<200x128xf32, #tpu.memory_space<vmem>>, vector<16xf32>,
          tpu.vector_store %arg8[%swap3A_236, %swap3A_237], %get3A_235 {add = true, strides = array<i32>} : memref<200x128xf32, #tpu.memory_space<vmem>>, vector<16xf32>,
        }
        %scan3A_160 = arith.constant 200 : i32
        %mul3A_161 = arith.constant 200 : i32
        %mul3A_162 = arith.muli %mul3A_58, %mul3A_161 : i32
        %add3A_163 = arith.addi %mul3A_2, %mul3A_162 : i32
        %add3A_164 = arith.constant 0 : i32
        %add3A_165 = arith.addi %add3A_163, %add3A_164 : i32
        %dma_start3A_166 = arith.constant 0 : i32
        %dma_start3A_167 = arith.constant 0 : i32
        %dma_start3A_168 = tpu.memref_slice %arg8[%dma_start3A_166, %dma_start3A_167] : memref<200x128xf32, #tpu.memory_space<vmem>> -> memref<200x128xf32, #tpu.memory_space<vmem>>
        %dma_start3A_169 = arith.constant 0 : i32
        %dma_start3A_170 = tpu.memref_slice %arg5[%add3A_165, %dma_start3A_169] : memref<819200x128xf32, #tpu.memory_space<hbm>> -> memref<200x128xf32, #tpu.memory_space<hbm>>
        %dma_start3A_171 = arith.constant 0 : i32
        %dma_start3A_172 = tpu.memref_slice %arg5[%add3A_165, %dma_start3A_171] : memref<819200x128xf32, #tpu.memory_space<hbm>> -> memref<200x128xf32, #tpu.memory_space<hbm>>
        %dma_start3A_173 = arith.constant 0 : i32
        %dma_start3A_174 = arith.constant 0 : i32
        %dma_start3A_175 = tpu.memref_slice %arg8[%dma_start3A_173, %dma_start3A_174] : memref<200x128xf32, #tpu.memory_space<vmem>> -> memref<200x128xf32, #tpu.memory_space<vmem>>
        tpu.enqueue_dma source(%dma_start3A_175 : memref<200x128xf32, #tpu.memory_space<vmem>>) target(%dma_start3A_172 : memref<200x128xf32, #tpu.memory_space<hbm>>) target_semaphore(%arg14 : memref<!tpu.dma_semaphore, #tpu.memory_space<semaphore_mem>>)
      } else {
      }
      %mul3A_91 = arith.constant 2 : i32
      %mul3A_92 = arith.muli %mul3A_91, %scan3A_55 : i32
      %add3A_93 = arith.constant 1 : i32
      %add3A_94 = arith.addi %mul3A_92, %add3A_93 : i32
      %add3A_95 = arith.constant 1 : i32
      %add3A_96 = arith.addi %add3A_94, %add3A_95 : i32
      %min3A_97 = arith.constant 127 : i32
      %min3A_98 = arith.minsi %add3A_96, %min3A_97 : i32
      %broadcast_in_dim3A_99 = arith.constant false
      %broadcast_in_dim3A_100 = vector.broadcast %broadcast_in_dim3A_99 : i1 to vector<16xi1>
      %scan3A_101 = arith.constant 0 : i32
      %scan3A_102 = arith.constant 13 : i32
      %scan3A_103 = arith.addi %scan3A_101, %scan3A_102 : i32
      %scan3A_104 = arith.constant 1 : i32
      %scan3A_105 = scf.for %scan3A_133 = %scan3A_101 to %scan3A_103 step %scan3A_104 iter_args(%scan3A_134 = %broadcast_in_dim3A_100) -> (vector<16xi1>)  : i32 {
        %mul3A_135 = arith.constant 200 : i32
        %mul3A_136 = arith.muli %min3A_98, %mul3A_135 : i32
        %mul3A_137 = arith.constant 16 : i32
        %mul3A_138 = arith.muli %scan3A_133, %mul3A_137 : i32
        %min3A_139 = arith.constant 184 : i32
        %min3A_140 = arith.minsi %mul3A_138, %min3A_139 : i32
        %add3A_141 = arith.addi %mul3A_136, %min3A_140 : i32
        %get3A = arith.index_cast %add3A_141 : i32 to index
        %get3A_142 = tpu.vector_load %arg6[%get3A] {strides = array<i32>} : memref<25600xi32, #tpu.memory_space<vmem>>, vector<16xi32>,
        %eq3A_143 = arith.constant 0 : i32
        %eq3A_144 = vector.broadcast %eq3A_143 : i32 to vector<16xi32>
        %eq3A_145 = arith.cmpi eq, %get3A_142, %eq3A_144 : vector<16xi32>
        %or3A = arith.ori %scan3A_134, %eq3A_145 : vector<16xi1>
        scf.yield %or3A : vector<16xi1>
      }
      %scan3A_106 = arith.constant 13 : i32
      %all_reduce_population_count3A_107 = tpu.all_reduce %scan3A_105 {dim = 0 : i64, kind = #tpu.reduction_kind<sum>} : vector<16xi1> -> vector<16xi32>
      %slice3A_108 = vector.extract_strided_slice %all_reduce_population_count3A_107 {offsets = [0], sizes = [1], strides = [1]} : vector<16xi32> to vector<1xi32>
      %squeeze3A_109 = vector.extract %slice3A_108[0] : i32 from vector<1xi32>
      %add3A_110 = arith.constant 1 : i32
      %add3A_111 = arith.addi %add3A_94, %add3A_110 : i32
      %lt3A_112 = arith.constant 128 : i32
      %lt3A_113 = arith.cmpi slt, %add3A_111, %lt3A_112 : i32
      %convert_element_type3A_114 = arith.extui %lt3A_113 : i1 to i32
      %cond3A_115 = arith.constant 0 : i32
      %cond3A_116 = arith.cmpi ne, %convert_element_type3A_114, %cond3A_115 : i32
      scf.if %cond3A_116 {
        %gt3A_133 = arith.constant 1 : i32
        %gt3A_134 = arith.cmpi sgt, %add3A_111, %gt3A_133 : i32
        %convert_element_type3A_135 = arith.extui %gt3A_134 : i1 to i32
        %cond3A_136 = arith.constant 0 : i32
        %cond3A_137 = arith.cmpi ne, %convert_element_type3A_135, %cond3A_136 : i32
        scf.if %cond3A_137 {
          %dma_wait3A_149 = arith.constant 0 : i32
          %dma_wait3A_150 = arith.constant 0 : i32
          %dma_wait3A_151 = tpu.memref_slice %arg3[%dma_wait3A_149, %dma_wait3A_150] : memref<100000x128xf32, #tpu.memory_space<hbm>> -> memref<200x128xf32, #tpu.memory_space<hbm>>
          %dma_wait3A_152 = arith.constant 0 : i32
          %dma_wait3A_153 = arith.constant 0 : i32
          %dma_wait3A_154 = tpu.memref_slice %arg3[%dma_wait3A_152, %dma_wait3A_153] : memref<100000x128xf32, #tpu.memory_space<hbm>> -> memref<200x128xf32, #tpu.memory_space<hbm>>
          tpu.wait_dma2 semaphore(%arg14 : memref<!tpu.dma_semaphore, #tpu.memory_space<semaphore_mem>>) src(%dma_wait3A_154 : memref<200x128xf32, #tpu.memory_space<hbm>>) dst(%arg8 : memref<200x128xf32, #tpu.memory_space<vmem>>)
        } else {
        }
        %mul3A_138 = arith.constant 200 : i32
        %mul3A_139 = arith.muli %add3A_111, %mul3A_138 : i32
        %add3A_140 = arith.constant 0 : i32
        %add3A_141 = arith.addi %mul3A_139, %add3A_140 : i32
        %dma_start3A_142 = arith.constant 0 : i32
        %dma_start3A_143 = arith.constant 0 : i32
        %dma_start3A_144 = tpu.memref_slice %arg8[%dma_start3A_142, %dma_start3A_143] : memref<200x128xf32, #tpu.memory_space<vmem>> -> memref<200x128xf32, #tpu.memory_space<vmem>>
        %dma_start3A_145 = tpu.memref_slice %arg6[%add3A_141] : memref<25600xi32, #tpu.memory_space<vmem>> -> memref<200xi32, #tpu.memory_space<vmem>>
        %dma_start3A_146 = arith.constant 0 : i32
        %dma_start3A_147 = arith.constant 0 : i32
        %dma_start3A_148 = tpu.memref_slice %arg3[%dma_start3A_146, %dma_start3A_147] : memref<100000x128xf32, #tpu.memory_space<hbm>> -> memref<100000x128xf32, #tpu.memory_space<hbm>>
        tpu.enqueue_indirect_dma source(%dma_start3A_148 : memref<100000x128xf32, #tpu.memory_space<hbm>>) target(%dma_start3A_144 : memref<200x128xf32, #tpu.memory_space<vmem>>) offsets(%dma_start3A_145 : memref<200xi32, #tpu.memory_space<vmem>>) semaphore(%arg12 : memref<!tpu.dma_semaphore, #tpu.memory_space<semaphore_mem>>)
      } else {
      }
      %dma_wait3A_117 = arith.constant 0 : i32
      %dma_wait3A_118 = arith.constant 0 : i32
      %dma_wait3A_119 = tpu.memref_slice %arg3[%dma_wait3A_117, %dma_wait3A_118] : memref<100000x128xf32, #tpu.memory_space<hbm>> -> memref<200x128xf32, #tpu.memory_space<hbm>>
      %dma_wait3A_120 = arith.constant 0 : i32
      %dma_wait3A_121 = arith.constant 0 : i32
      %dma_wait3A_122 = tpu.memref_slice %arg3[%dma_wait3A_120, %dma_wait3A_121] : memref<100000x128xf32, #tpu.memory_space<hbm>> -> memref<200x128xf32, #tpu.memory_space<hbm>>
      tpu.wait_dma2 semaphore(%arg13 : memref<!tpu.dma_semaphore, #tpu.memory_space<semaphore_mem>>) src(%dma_wait3A_122 : memref<200x128xf32, #tpu.memory_space<hbm>>) dst(%arg9 : memref<200x128xf32, #tpu.memory_space<vmem>>)
      %eq3A_123 = arith.constant 0 : i32
      %eq3A_124 = arith.cmpi eq, %squeeze3A_72, %eq3A_123 : i32
      %convert_element_type3A_125 = arith.extui %eq3A_124 : i1 to i32
      %cond3A_126 = arith.constant 0 : i32
      %cond3A_127 = arith.cmpi ne, %convert_element_type3A_125, %cond3A_126 : i32
      scf.if %cond3A_127 {
        %scan3A_133 = arith.constant 0 : i32
        %scan3A_134 = arith.constant 0 : i32
        %scan3A_135 = arith.constant 56 : i32
        %scan3A_136 = arith.addi %scan3A_134, %scan3A_135 : i32
        %scan3A_137 = arith.constant 1 : i32
        scf.for %scan3A_217 = %scan3A_134 to %scan3A_136 step %scan3A_137  : i32 {
          %add3A_218 = arith.constant 0 : i32
          %add3A_219 = arith.addi %add3A_218, %scan3A_217 : i32
          %add3A_220 = arith.constant 0 : i32
          %add3A_221 = arith.addi %add3A_220, %scan3A_217 : i32
          %get3A = arith.index_cast %add3A_221 : i32 to index
          %get3A_222 = arith.constant 0 : index
          %get3A_223 = tpu.vector_load %arg10[%get3A, %get3A_222] {strides = array<i32>} : memref<200x128xf32, #tpu.memory_space<vmem>>, vector<16xf32>,
          %swap3A = arith.index_cast %add3A_219 : i32 to index
          %swap3A_224 = arith.constant 0 : index
          %swap3A_225 = tpu.vector_load %arg9[%swap3A, %swap3A_224] {strides = array<i32>} : memref<200x128xf32, #tpu.memory_space<vmem>>, vector<16xf32>,
          tpu.vector_store %arg9[%swap3A, %swap3A_224], %get3A_223 {add = true, strides = array<i32>} : memref<200x128xf32, #tpu.memory_space<vmem>>, vector<16xf32>,
          %add3A_226 = arith.constant 0 : i32
          %add3A_227 = arith.addi %add3A_226, %scan3A_217 : i32
          %add3A_228 = arith.constant 0 : i32
          %add3A_229 = arith.addi %add3A_228, %scan3A_217 : i32
          %get3A_230 = arith.index_cast %add3A_229 : i32 to index
          %get3A_231 = arith.constant 16 : index
          %get3A_232 = tpu.vector_load %arg10[%get3A_230, %get3A_231] {strides = array<i32>} : memref<200x128xf32, #tpu.memory_space<vmem>>, vector<16xf32>,
          %swap3A_233 = arith.index_cast %add3A_227 : i32 to index
          %swap3A_234 = arith.constant 16 : index
          %swap3A_235 = tpu.vector_load %arg9[%swap3A_233, %swap3A_234] {strides = array<i32>} : memref<200x128xf32, #tpu.memory_space<vmem>>, vector<16xf32>,
          tpu.vector_store %arg9[%swap3A_233, %swap3A_234], %get3A_232 {add = true, strides = array<i32>} : memref<200x128xf32, #tpu.memory_space<vmem>>, vector<16xf32>,
          %add3A_236 = arith.constant 0 : i32
          %add3A_237 = arith.addi %add3A_236, %scan3A_217 : i32
          %add3A_238 = arith.constant 0 : i32
          %add3A_239 = arith.addi %add3A_238, %scan3A_217 : i32
          %get3A_240 = arith.index_cast %add3A_239 : i32 to index
          %get3A_241 = arith.constant 32 : index
          %get3A_242 = tpu.vector_load %arg10[%get3A_240, %get3A_241] {strides = array<i32>} : memref<200x128xf32, #tpu.memory_space<vmem>>, vector<16xf32>,
          %swap3A_243 = arith.index_cast %add3A_237 : i32 to index
          %swap3A_244 = arith.constant 32 : index
          %swap3A_245 = tpu.vector_load %arg9[%swap3A_243, %swap3A_244] {strides = array<i32>} : memref<200x128xf32, #tpu.memory_space<vmem>>, vector<16xf32>,
          tpu.vector_store %arg9[%swap3A_243, %swap3A_244], %get3A_242 {add = true, strides = array<i32>} : memref<200x128xf32, #tpu.memory_space<vmem>>, vector<16xf32>,
          %add3A_246 = arith.constant 0 : i32
          %add3A_247 = arith.addi %add3A_246, %scan3A_217 : i32
          %add3A_248 = arith.constant 0 : i32
          %add3A_249 = arith.addi %add3A_248, %scan3A_217 : i32
          %get3A_250 = arith.index_cast %add3A_249 : i32 to index
          %get3A_251 = arith.constant 48 : index
          %get3A_252 = tpu.vector_load %arg10[%get3A_250, %get3A_251] {strides = array<i32>} : memref<200x128xf32, #tpu.memory_space<vmem>>, vector<16xf32>,
          %swap3A_253 = arith.index_cast %add3A_247 : i32 to index
          %swap3A_254 = arith.constant 48 : index
          %swap3A_255 = tpu.vector_load %arg9[%swap3A_253, %swap3A_254] {strides = array<i32>} : memref<200x128xf32, #tpu.memory_space<vmem>>, vector<16xf32>,
          tpu.vector_store %arg9[%swap3A_253, %swap3A_254], %get3A_252 {add = true, strides = array<i32>} : memref<200x128xf32, #tpu.memory_space<vmem>>, vector<16xf32>,
          %add3A_256 = arith.constant 0 : i32
          %add3A_257 = arith.addi %add3A_256, %scan3A_217 : i32
          %add3A_258 = arith.constant 0 : i32
          %add3A_259 = arith.addi %add3A_258, %scan3A_217 : i32
          %get3A_260 = arith.index_cast %add3A_259 : i32 to index
          %get3A_261 = arith.constant 64 : index
          %get3A_262 = tpu.vector_load %arg10[%get3A_260, %get3A_261] {strides = array<i32>} : memref<200x128xf32, #tpu.memory_space<vmem>>, vector<16xf32>,
          %swap3A_263 = arith.index_cast %add3A_257 : i32 to index
          %swap3A_264 = arith.constant 64 : index
          %swap3A_265 = tpu.vector_load %arg9[%swap3A_263, %swap3A_264] {strides = array<i32>} : memref<200x128xf32, #tpu.memory_space<vmem>>, vector<16xf32>,
          tpu.vector_store %arg9[%swap3A_263, %swap3A_264], %get3A_262 {add = true, strides = array<i32>} : memref<200x128xf32, #tpu.memory_space<vmem>>, vector<16xf32>,
          %add3A_266 = arith.constant 0 : i32
          %add3A_267 = arith.addi %add3A_266, %scan3A_217 : i32
          %add3A_268 = arith.constant 0 : i32
          %add3A_269 = arith.addi %add3A_268, %scan3A_217 : i32
          %get3A_270 = arith.index_cast %add3A_269 : i32 to index
          %get3A_271 = arith.constant 80 : index
          %get3A_272 = tpu.vector_load %arg10[%get3A_270, %get3A_271] {strides = array<i32>} : memref<200x128xf32, #tpu.memory_space<vmem>>, vector<16xf32>,
          %swap3A_273 = arith.index_cast %add3A_267 : i32 to index
          %swap3A_274 = arith.constant 80 : index
          %swap3A_275 = tpu.vector_load %arg9[%swap3A_273, %swap3A_274] {strides = array<i32>} : memref<200x128xf32, #tpu.memory_space<vmem>>, vector<16xf32>,
          tpu.vector_store %arg9[%swap3A_273, %swap3A_274], %get3A_272 {add = true, strides = array<i32>} : memref<200x128xf32, #tpu.memory_space<vmem>>, vector<16xf32>,
          %add3A_276 = arith.constant 0 : i32
          %add3A_277 = arith.addi %add3A_276, %scan3A_217 : i32
          %add3A_278 = arith.constant 0 : i32
          %add3A_279 = arith.addi %add3A_278, %scan3A_217 : i32
          %get3A_280 = arith.index_cast %add3A_279 : i32 to index
          %get3A_281 = arith.constant 96 : index
          %get3A_282 = tpu.vector_load %arg10[%get3A_280, %get3A_281] {strides = array<i32>} : memref<200x128xf32, #tpu.memory_space<vmem>>, vector<16xf32>,
          %swap3A_283 = arith.index_cast %add3A_277 : i32 to index
          %swap3A_284 = arith.constant 96 : index
          %swap3A_285 = tpu.vector_load %arg9[%swap3A_283, %swap3A_284] {strides = array<i32>} : memref<200x128xf32, #tpu.memory_space<vmem>>, vector<16xf32>,
          tpu.vector_store %arg9[%swap3A_283, %swap3A_284], %get3A_282 {add = true, strides = array<i32>} : memref<200x128xf32, #tpu.memory_space<vmem>>, vector<16xf32>,
          %add3A_286 = arith.constant 0 : i32
          %add3A_287 = arith.addi %add3A_286, %scan3A_217 : i32
          %add3A_288 = arith.constant 0 : i32
          %add3A_289 = arith.addi %add3A_288, %scan3A_217 : i32
          %get3A_290 = arith.index_cast %add3A_289 : i32 to index
          %get3A_291 = arith.constant 112 : index
          %get3A_292 = tpu.vector_load %arg10[%get3A_290, %get3A_291] {strides = array<i32>} : memref<200x128xf32, #tpu.memory_space<vmem>>, vector<16xf32>,
          %swap3A_293 = arith.index_cast %add3A_287 : i32 to index
          %swap3A_294 = arith.constant 112 : index
          %swap3A_295 = tpu.vector_load %arg9[%swap3A_293, %swap3A_294] {strides = array<i32>} : memref<200x128xf32, #tpu.memory_space<vmem>>, vector<16xf32>,
          tpu.vector_store %arg9[%swap3A_293, %swap3A_294], %get3A_292 {add = true, strides = array<i32>} : memref<200x128xf32, #tpu.memory_space<vmem>>, vector<16xf32>,
        }
        %scan3A_138 = arith.constant 56 : i32
        %mul3A_139 = arith.constant 200 : i32
        %mul3A_140 = arith.muli %add3A_94, %mul3A_139 : i32
        %add3A_141 = arith.addi %mul3A_2, %mul3A_140 : i32
        %add3A_142 = arith.constant 0 : i32
        %add3A_143 = arith.addi %add3A_141, %add3A_142 : i32
        %dma_start3A_144 = arith.constant 0 : i32
        %dma_start3A_145 = arith.constant 0 : i32
        %dma_start3A_146 = tpu.memref_slice %arg9[%dma_start3A_144, %dma_start3A_145] : memref<200x128xf32, #tpu.memory_space<vmem>> -> memref<56x128xf32, #tpu.memory_space<vmem>>
        %dma_start3A_147 = arith.constant 0 : i32
        %dma_start3A_148 = tpu.memref_slice %arg5[%add3A_143, %dma_start3A_147] : memref<819200x128xf32, #tpu.memory_space<hbm>> -> memref<56x128xf32, #tpu.memory_space<hbm>>
        %dma_start3A_149 = arith.constant 0 : i32
        %dma_start3A_150 = tpu.memref_slice %arg5[%add3A_143, %dma_start3A_149] : memref<819200x128xf32, #tpu.memory_space<hbm>> -> memref<56x128xf32, #tpu.memory_space<hbm>>
        %dma_start3A_151 = arith.constant 0 : i32
        %dma_start3A_152 = arith.constant 0 : i32
        %dma_start3A_153 = tpu.memref_slice %arg9[%dma_start3A_151, %dma_start3A_152] : memref<200x128xf32, #tpu.memory_space<vmem>> -> memref<56x128xf32, #tpu.memory_space<vmem>>
        tpu.enqueue_dma source(%dma_start3A_153 : memref<56x128xf32, #tpu.memory_space<vmem>>) target(%dma_start3A_150 : memref<56x128xf32, #tpu.memory_space<hbm>>) target_semaphore(%arg15 : memref<!tpu.dma_semaphore, #tpu.memory_space<semaphore_mem>>)
        %scan3A_154 = arith.constant 0 : i32
        %scan3A_155 = arith.constant 0 : i32
        %scan3A_156 = arith.constant 48 : i32
        %scan3A_157 = arith.addi %scan3A_155, %scan3A_156 : i32
        %scan3A_158 = arith.constant 1 : i32
        scf.for %scan3A_217 = %scan3A_155 to %scan3A_157 step %scan3A_158  : i32 {
          %add3A_218 = arith.constant 56 : i32
          %add3A_219 = arith.addi %add3A_218, %scan3A_217 : i32
          %add3A_220 = arith.constant 56 : i32
          %add3A_221 = arith.addi %add3A_220, %scan3A_217 : i32
          %get3A = arith.index_cast %add3A_221 : i32 to index
          %get3A_222 = arith.constant 0 : index
          %get3A_223 = tpu.vector_load %arg10[%get3A, %get3A_222] {strides = array<i32>} : memref<200x128xf32, #tpu.memory_space<vmem>>, vector<16xf32>,
          %swap3A = arith.index_cast %add3A_219 : i32 to index
          %swap3A_224 = arith.constant 0 : index
          %swap3A_225 = tpu.vector_load %arg9[%swap3A, %swap3A_224] {strides = array<i32>} : memref<200x128xf32, #tpu.memory_space<vmem>>, vector<16xf32>,
          tpu.vector_store %arg9[%swap3A, %swap3A_224], %get3A_223 {add = true, strides = array<i32>} : memref<200x128xf32, #tpu.memory_space<vmem>>, vector<16xf32>,
          %add3A_226 = arith.constant 56 : i32
          %add3A_227 = arith.addi %add3A_226, %scan3A_217 : i32
          %add3A_228 = arith.constant 56 : i32
          %add3A_229 = arith.addi %add3A_228, %scan3A_217 : i32
          %get3A_230 = arith.index_cast %add3A_229 : i32 to index
          %get3A_231 = arith.constant 16 : index
          %get3A_232 = tpu.vector_load %arg10[%get3A_230, %get3A_231] {strides = array<i32>} : memref<200x128xf32, #tpu.memory_space<vmem>>, vector<16xf32>,
          %swap3A_233 = arith.index_cast %add3A_227 : i32 to index
          %swap3A_234 = arith.constant 16 : index
          %swap3A_235 = tpu.vector_load %arg9[%swap3A_233, %swap3A_234] {strides = array<i32>} : memref<200x128xf32, #tpu.memory_space<vmem>>, vector<16xf32>,
          tpu.vector_store %arg9[%swap3A_233, %swap3A_234], %get3A_232 {add = true, strides = array<i32>} : memref<200x128xf32, #tpu.memory_space<vmem>>, vector<16xf32>,
          %add3A_236 = arith.constant 56 : i32
          %add3A_237 = arith.addi %add3A_236, %scan3A_217 : i32
          %add3A_238 = arith.constant 56 : i32
          %add3A_239 = arith.addi %add3A_238, %scan3A_217 : i32
          %get3A_240 = arith.index_cast %add3A_239 : i32 to index
          %get3A_241 = arith.constant 32 : index
          %get3A_242 = tpu.vector_load %arg10[%get3A_240, %get3A_241] {strides = array<i32>} : memref<200x128xf32, #tpu.memory_space<vmem>>, vector<16xf32>,
          %swap3A_243 = arith.index_cast %add3A_237 : i32 to index
          %swap3A_244 = arith.constant 32 : index
          %swap3A_245 = tpu.vector_load %arg9[%swap3A_243, %swap3A_244] {strides = array<i32>} : memref<200x128xf32, #tpu.memory_space<vmem>>, vector<16xf32>,
          tpu.vector_store %arg9[%swap3A_243, %swap3A_244], %get3A_242 {add = true, strides = array<i32>} : memref<200x128xf32, #tpu.memory_space<vmem>>, vector<16xf32>,
          %add3A_246 = arith.constant 56 : i32
          %add3A_247 = arith.addi %add3A_246, %scan3A_217 : i32
          %add3A_248 = arith.constant 56 : i32
          %add3A_249 = arith.addi %add3A_248, %scan3A_217 : i32
          %get3A_250 = arith.index_cast %add3A_249 : i32 to index
          %get3A_251 = arith.constant 48 : index
          %get3A_252 = tpu.vector_load %arg10[%get3A_250, %get3A_251] {strides = array<i32>} : memref<200x128xf32, #tpu.memory_space<vmem>>, vector<16xf32>,
          %swap3A_253 = arith.index_cast %add3A_247 : i32 to index
          %swap3A_254 = arith.constant 48 : index
          %swap3A_255 = tpu.vector_load %arg9[%swap3A_253, %swap3A_254] {strides = array<i32>} : memref<200x128xf32, #tpu.memory_space<vmem>>, vector<16xf32>,
          tpu.vector_store %arg9[%swap3A_253, %swap3A_254], %get3A_252 {add = true, strides = array<i32>} : memref<200x128xf32, #tpu.memory_space<vmem>>, vector<16xf32>,
          %add3A_256 = arith.constant 56 : i32
          %add3A_257 = arith.addi %add3A_256, %scan3A_217 : i32
          %add3A_258 = arith.constant 56 : i32
          %add3A_259 = arith.addi %add3A_258, %scan3A_217 : i32
          %get3A_260 = arith.index_cast %add3A_259 : i32 to index
          %get3A_261 = arith.constant 64 : index
          %get3A_262 = tpu.vector_load %arg10[%get3A_260, %get3A_261] {strides = array<i32>} : memref<200x128xf32, #tpu.memory_space<vmem>>, vector<16xf32>,
          %swap3A_263 = arith.index_cast %add3A_257 : i32 to index
          %swap3A_264 = arith.constant 64 : index
          %swap3A_265 = tpu.vector_load %arg9[%swap3A_263, %swap3A_264] {strides = array<i32>} : memref<200x128xf32, #tpu.memory_space<vmem>>, vector<16xf32>,
          tpu.vector_store %arg9[%swap3A_263, %swap3A_264], %get3A_262 {add = true, strides = array<i32>} : memref<200x128xf32, #tpu.memory_space<vmem>>, vector<16xf32>,
          %add3A_266 = arith.constant 56 : i32
          %add3A_267 = arith.addi %add3A_266, %scan3A_217 : i32
          %add3A_268 = arith.constant 56 : i32
          %add3A_269 = arith.addi %add3A_268, %scan3A_217 : i32
          %get3A_270 = arith.index_cast %add3A_269 : i32 to index
          %get3A_271 = arith.constant 80 : index
          %get3A_272 = tpu.vector_load %arg10[%get3A_270, %get3A_271] {strides = array<i32>} : memref<200x128xf32, #tpu.memory_space<vmem>>, vector<16xf32>,
          %swap3A_273 = arith.index_cast %add3A_267 : i32 to index
          %swap3A_274 = arith.constant 80 : index
          %swap3A_275 = tpu.vector_load %arg9[%swap3A_273, %swap3A_274] {strides = array<i32>} : memref<200x128xf32, #tpu.memory_space<vmem>>, vector<16xf32>,
          tpu.vector_store %arg9[%swap3A_273, %swap3A_274], %get3A_272 {add = true, strides = array<i32>} : memref<200x128xf32, #tpu.memory_space<vmem>>, vector<16xf32>,
          %add3A_276 = arith.constant 56 : i32
          %add3A_277 = arith.addi %add3A_276, %scan3A_217 : i32
          %add3A_278 = arith.constant 56 : i32
          %add3A_279 = arith.addi %add3A_278, %scan3A_217 : i32
          %get3A_280 = arith.index_cast %add3A_279 : i32 to index
          %get3A_281 = arith.constant 96 : index
          %get3A_282 = tpu.vector_load %arg10[%get3A_280, %get3A_281] {strides = array<i32>} : memref<200x128xf32, #tpu.memory_space<vmem>>, vector<16xf32>,
          %swap3A_283 = arith.index_cast %add3A_277 : i32 to index
          %swap3A_284 = arith.constant 96 : index
          %swap3A_285 = tpu.vector_load %arg9[%swap3A_283, %swap3A_284] {strides = array<i32>} : memref<200x128xf32, #tpu.memory_space<vmem>>, vector<16xf32>,
          tpu.vector_store %arg9[%swap3A_283, %swap3A_284], %get3A_282 {add = true, strides = array<i32>} : memref<200x128xf32, #tpu.memory_space<vmem>>, vector<16xf32>,
          %add3A_286 = arith.constant 56 : i32
          %add3A_287 = arith.addi %add3A_286, %scan3A_217 : i32
          %add3A_288 = arith.constant 56 : i32
          %add3A_289 = arith.addi %add3A_288, %scan3A_217 : i32
          %get3A_290 = arith.index_cast %add3A_289 : i32 to index
          %get3A_291 = arith.constant 112 : index
          %get3A_292 = tpu.vector_load %arg10[%get3A_290, %get3A_291] {strides = array<i32>} : memref<200x128xf32, #tpu.memory_space<vmem>>, vector<16xf32>,
          %swap3A_293 = arith.index_cast %add3A_287 : i32 to index
          %swap3A_294 = arith.constant 112 : index
          %swap3A_295 = tpu.vector_load %arg9[%swap3A_293, %swap3A_294] {strides = array<i32>} : memref<200x128xf32, #tpu.memory_space<vmem>>, vector<16xf32>,
          tpu.vector_store %arg9[%swap3A_293, %swap3A_294], %get3A_292 {add = true, strides = array<i32>} : memref<200x128xf32, #tpu.memory_space<vmem>>, vector<16xf32>,
        }
        %scan3A_159 = arith.constant 48 : i32
        %mul3A_160 = arith.constant 200 : i32
        %mul3A_161 = arith.muli %add3A_94, %mul3A_160 : i32
        %add3A_162 = arith.addi %mul3A_2, %mul3A_161 : i32
        %add3A_163 = arith.constant 56 : i32
        %add3A_164 = arith.addi %add3A_162, %add3A_163 : i32
        %dma_start3A_165 = arith.constant 56 : i32
        %dma_start3A_166 = arith.constant 0 : i32
        %dma_start3A_167 = tpu.memref_slice %arg9[%dma_start3A_165, %dma_start3A_166] : memref<200x128xf32, #tpu.memory_space<vmem>> -> memref<48x128xf32, #tpu.memory_space<vmem>>
        %dma_start3A_168 = arith.constant 0 : i32
        %dma_start3A_169 = tpu.memref_slice %arg5[%add3A_164, %dma_start3A_168] : memref<819200x128xf32, #tpu.memory_space<hbm>> -> memref<48x128xf32, #tpu.memory_space<hbm>>
        %dma_start3A_170 = arith.constant 0 : i32
        %dma_start3A_171 = tpu.memref_slice %arg5[%add3A_164, %dma_start3A_170] : memref<819200x128xf32, #tpu.memory_space<hbm>> -> memref<48x128xf32, #tpu.memory_space<hbm>>
        %dma_start3A_172 = arith.constant 56 : i32
        %dma_start3A_173 = arith.constant 0 : i32
        %dma_start3A_174 = tpu.memref_slice %arg9[%dma_start3A_172, %dma_start3A_173] : memref<200x128xf32, #tpu.memory_space<vmem>> -> memref<48x128xf32, #tpu.memory_space<vmem>>
        tpu.enqueue_dma source(%dma_start3A_174 : memref<48x128xf32, #tpu.memory_space<vmem>>) target(%dma_start3A_171 : memref<48x128xf32, #tpu.memory_space<hbm>>) target_semaphore(%arg15 : memref<!tpu.dma_semaphore, #tpu.memory_space<semaphore_mem>>)
        %scan3A_175 = arith.constant 0 : i32
        %scan3A_176 = arith.constant 0 : i32
        %scan3A_177 = arith.constant 48 : i32
        %scan3A_178 = arith.addi %scan3A_176, %scan3A_177 : i32
        %scan3A_179 = arith.constant 1 : i32
        scf.for %scan3A_217 = %scan3A_176 to %scan3A_178 step %scan3A_179  : i32 {
          %add3A_218 = arith.constant 104 : i32
          %add3A_219 = arith.addi %add3A_218, %scan3A_217 : i32
          %add3A_220 = arith.constant 104 : i32
          %add3A_221 = arith.addi %add3A_220, %scan3A_217 : i32
          %get3A = arith.index_cast %add3A_221 : i32 to index
          %get3A_222 = arith.constant 0 : index
          %get3A_223 = tpu.vector_load %arg10[%get3A, %get3A_222] {strides = array<i32>} : memref<200x128xf32, #tpu.memory_space<vmem>>, vector<16xf32>,
          %swap3A = arith.index_cast %add3A_219 : i32 to index
          %swap3A_224 = arith.constant 0 : index
          %swap3A_225 = tpu.vector_load %arg9[%swap3A, %swap3A_224] {strides = array<i32>} : memref<200x128xf32, #tpu.memory_space<vmem>>, vector<16xf32>,
          tpu.vector_store %arg9[%swap3A, %swap3A_224], %get3A_223 {add = true, strides = array<i32>} : memref<200x128xf32, #tpu.memory_space<vmem>>, vector<16xf32>,
          %add3A_226 = arith.constant 104 : i32
          %add3A_227 = arith.addi %add3A_226, %scan3A_217 : i32
          %add3A_228 = arith.constant 104 : i32
          %add3A_229 = arith.addi %add3A_228, %scan3A_217 : i32
          %get3A_230 = arith.index_cast %add3A_229 : i32 to index
          %get3A_231 = arith.constant 16 : index
          %get3A_232 = tpu.vector_load %arg10[%get3A_230, %get3A_231] {strides = array<i32>} : memref<200x128xf32, #tpu.memory_space<vmem>>, vector<16xf32>,
          %swap3A_233 = arith.index_cast %add3A_227 : i32 to index
          %swap3A_234 = arith.constant 16 : index
          %swap3A_235 = tpu.vector_load %arg9[%swap3A_233, %swap3A_234] {strides = array<i32>} : memref<200x128xf32, #tpu.memory_space<vmem>>, vector<16xf32>,
          tpu.vector_store %arg9[%swap3A_233, %swap3A_234], %get3A_232 {add = true, strides = array<i32>} : memref<200x128xf32, #tpu.memory_space<vmem>>, vector<16xf32>,
          %add3A_236 = arith.constant 104 : i32
          %add3A_237 = arith.addi %add3A_236, %scan3A_217 : i32
          %add3A_238 = arith.constant 104 : i32
          %add3A_239 = arith.addi %add3A_238, %scan3A_217 : i32
          %get3A_240 = arith.index_cast %add3A_239 : i32 to index
          %get3A_241 = arith.constant 32 : index
          %get3A_242 = tpu.vector_load %arg10[%get3A_240, %get3A_241] {strides = array<i32>} : memref<200x128xf32, #tpu.memory_space<vmem>>, vector<16xf32>,
          %swap3A_243 = arith.index_cast %add3A_237 : i32 to index
          %swap3A_244 = arith.constant 32 : index
          %swap3A_245 = tpu.vector_load %arg9[%swap3A_243, %swap3A_244] {strides = array<i32>} : memref<200x128xf32, #tpu.memory_space<vmem>>, vector<16xf32>,
          tpu.vector_store %arg9[%swap3A_243, %swap3A_244], %get3A_242 {add = true, strides = array<i32>} : memref<200x128xf32, #tpu.memory_space<vmem>>, vector<16xf32>,
          %add3A_246 = arith.constant 104 : i32
          %add3A_247 = arith.addi %add3A_246, %scan3A_217 : i32
          %add3A_248 = arith.constant 104 : i32
          %add3A_249 = arith.addi %add3A_248, %scan3A_217 : i32
          %get3A_250 = arith.index_cast %add3A_249 : i32 to index
          %get3A_251 = arith.constant 48 : index
          %get3A_252 = tpu.vector_load %arg10[%get3A_250, %get3A_251] {strides = array<i32>} : memref<200x128xf32, #tpu.memory_space<vmem>>, vector<16xf32>,
          %swap3A_253 = arith.index_cast %add3A_247 : i32 to index
          %swap3A_254 = arith.constant 48 : index
          %swap3A_255 = tpu.vector_load %arg9[%swap3A_253, %swap3A_254] {strides = array<i32>} : memref<200x128xf32, #tpu.memory_space<vmem>>, vector<16xf32>,
          tpu.vector_store %arg9[%swap3A_253, %swap3A_254], %get3A_252 {add = true, strides = array<i32>} : memref<200x128xf32, #tpu.memory_space<vmem>>, vector<16xf32>,
          %add3A_256 = arith.constant 104 : i32
          %add3A_257 = arith.addi %add3A_256, %scan3A_217 : i32
          %add3A_258 = arith.constant 104 : i32
          %add3A_259 = arith.addi %add3A_258, %scan3A_217 : i32
          %get3A_260 = arith.index_cast %add3A_259 : i32 to index
          %get3A_261 = arith.constant 64 : index
          %get3A_262 = tpu.vector_load %arg10[%get3A_260, %get3A_261] {strides = array<i32>} : memref<200x128xf32, #tpu.memory_space<vmem>>, vector<16xf32>,
          %swap3A_263 = arith.index_cast %add3A_257 : i32 to index
          %swap3A_264 = arith.constant 64 : index
          %swap3A_265 = tpu.vector_load %arg9[%swap3A_263, %swap3A_264] {strides = array<i32>} : memref<200x128xf32, #tpu.memory_space<vmem>>, vector<16xf32>,
          tpu.vector_store %arg9[%swap3A_263, %swap3A_264], %get3A_262 {add = true, strides = array<i32>} : memref<200x128xf32, #tpu.memory_space<vmem>>, vector<16xf32>,
          %add3A_266 = arith.constant 104 : i32
          %add3A_267 = arith.addi %add3A_266, %scan3A_217 : i32
          %add3A_268 = arith.constant 104 : i32
          %add3A_269 = arith.addi %add3A_268, %scan3A_217 : i32
          %get3A_270 = arith.index_cast %add3A_269 : i32 to index
          %get3A_271 = arith.constant 80 : index
          %get3A_272 = tpu.vector_load %arg10[%get3A_270, %get3A_271] {strides = array<i32>} : memref<200x128xf32, #tpu.memory_space<vmem>>, vector<16xf32>,
          %swap3A_273 = arith.index_cast %add3A_267 : i32 to index
          %swap3A_274 = arith.constant 80 : index
          %swap3A_275 = tpu.vector_load %arg9[%swap3A_273, %swap3A_274] {strides = array<i32>} : memref<200x128xf32, #tpu.memory_space<vmem>>, vector<16xf32>,
          tpu.vector_store %arg9[%swap3A_273, %swap3A_274], %get3A_272 {add = true, strides = array<i32>} : memref<200x128xf32, #tpu.memory_space<vmem>>, vector<16xf32>,
          %add3A_276 = arith.constant 104 : i32
          %add3A_277 = arith.addi %add3A_276, %scan3A_217 : i32
          %add3A_278 = arith.constant 104 : i32
          %add3A_279 = arith.addi %add3A_278, %scan3A_217 : i32
          %get3A_280 = arith.index_cast %add3A_279 : i32 to index
          %get3A_281 = arith.constant 96 : index
          %get3A_282 = tpu.vector_load %arg10[%get3A_280, %get3A_281] {strides = array<i32>} : memref<200x128xf32, #tpu.memory_space<vmem>>, vector<16xf32>,
          %swap3A_283 = arith.index_cast %add3A_277 : i32 to index
          %swap3A_284 = arith.constant 96 : index
          %swap3A_285 = tpu.vector_load %arg9[%swap3A_283, %swap3A_284] {strides = array<i32>} : memref<200x128xf32, #tpu.memory_space<vmem>>, vector<16xf32>,
          tpu.vector_store %arg9[%swap3A_283, %swap3A_284], %get3A_282 {add = true, strides = array<i32>} : memref<200x128xf32, #tpu.memory_space<vmem>>, vector<16xf32>,
          %add3A_286 = arith.constant 104 : i32
          %add3A_287 = arith.addi %add3A_286, %scan3A_217 : i32
          %add3A_288 = arith.constant 104 : i32
          %add3A_289 = arith.addi %add3A_288, %scan3A_217 : i32
          %get3A_290 = arith.index_cast %add3A_289 : i32 to index
          %get3A_291 = arith.constant 112 : index
          %get3A_292 = tpu.vector_load %arg10[%get3A_290, %get3A_291] {strides = array<i32>} : memref<200x128xf32, #tpu.memory_space<vmem>>, vector<16xf32>,
          %swap3A_293 = arith.index_cast %add3A_287 : i32 to index
          %swap3A_294 = arith.constant 112 : index
          %swap3A_295 = tpu.vector_load %arg9[%swap3A_293, %swap3A_294] {strides = array<i32>} : memref<200x128xf32, #tpu.memory_space<vmem>>, vector<16xf32>,
          tpu.vector_store %arg9[%swap3A_293, %swap3A_294], %get3A_292 {add = true, strides = array<i32>} : memref<200x128xf32, #tpu.memory_space<vmem>>, vector<16xf32>,
        }
        %scan3A_180 = arith.constant 48 : i32
        %mul3A_181 = arith.constant 200 : i32
        %mul3A_182 = arith.muli %add3A_94, %mul3A_181 : i32
        %add3A_183 = arith.addi %mul3A_2, %mul3A_182 : i32
        %add3A_184 = arith.constant 104 : i32
        %add3A_185 = arith.addi %add3A_183, %add3A_184 : i32
        %dma_start3A_186 = arith.constant 104 : i32
        %dma_start3A_187 = arith.constant 0 : i32
        %dma_start3A_188 = tpu.memref_slice %arg9[%dma_start3A_186, %dma_start3A_187] : memref<200x128xf32, #tpu.memory_space<vmem>> -> memref<48x128xf32, #tpu.memory_space<vmem>>
        %dma_start3A_189 = arith.constant 0 : i32
        %dma_start3A_190 = tpu.memref_slice %arg5[%add3A_185, %dma_start3A_189] : memref<819200x128xf32, #tpu.memory_space<hbm>> -> memref<48x128xf32, #tpu.memory_space<hbm>>
        %dma_start3A_191 = arith.constant 0 : i32
        %dma_start3A_192 = tpu.memref_slice %arg5[%add3A_185, %dma_start3A_191] : memref<819200x128xf32, #tpu.memory_space<hbm>> -> memref<48x128xf32, #tpu.memory_space<hbm>>
        %dma_start3A_193 = arith.constant 104 : i32
        %dma_start3A_194 = arith.constant 0 : i32
        %dma_start3A_195 = tpu.memref_slice %arg9[%dma_start3A_193, %dma_start3A_194] : memref<200x128xf32, #tpu.memory_space<vmem>> -> memref<48x128xf32, #tpu.memory_space<vmem>>
        tpu.enqueue_dma source(%dma_start3A_195 : memref<48x128xf32, #tpu.memory_space<vmem>>) target(%dma_start3A_192 : memref<48x128xf32, #tpu.memory_space<hbm>>) target_semaphore(%arg15 : memref<!tpu.dma_semaphore, #tpu.memory_space<semaphore_mem>>)
        %scan3A_196 = arith.constant 0 : i32
        %scan3A_197 = arith.constant 0 : i32
        %scan3A_198 = arith.constant 48 : i32
        %scan3A_199 = arith.addi %scan3A_197, %scan3A_198 : i32
        %scan3A_200 = arith.constant 1 : i32
        scf.for %scan3A_217 = %scan3A_197 to %scan3A_199 step %scan3A_200  : i32 {
          %add3A_218 = arith.constant 152 : i32
          %add3A_219 = arith.addi %add3A_218, %scan3A_217 : i32
          %add3A_220 = arith.constant 152 : i32
          %add3A_221 = arith.addi %add3A_220, %scan3A_217 : i32
          %get3A = arith.index_cast %add3A_221 : i32 to index
          %get3A_222 = arith.constant 0 : index
          %get3A_223 = tpu.vector_load %arg10[%get3A, %get3A_222] {strides = array<i32>} : memref<200x128xf32, #tpu.memory_space<vmem>>, vector<16xf32>,
          %swap3A = arith.index_cast %add3A_219 : i32 to index
          %swap3A_224 = arith.constant 0 : index
          %swap3A_225 = tpu.vector_load %arg9[%swap3A, %swap3A_224] {strides = array<i32>} : memref<200x128xf32, #tpu.memory_space<vmem>>, vector<16xf32>,
          tpu.vector_store %arg9[%swap3A, %swap3A_224], %get3A_223 {add = true, strides = array<i32>} : memref<200x128xf32, #tpu.memory_space<vmem>>, vector<16xf32>,
          %add3A_226 = arith.constant 152 : i32
          %add3A_227 = arith.addi %add3A_226, %scan3A_217 : i32
          %add3A_228 = arith.constant 152 : i32
          %add3A_229 = arith.addi %add3A_228, %scan3A_217 : i32
          %get3A_230 = arith.index_cast %add3A_229 : i32 to index
          %get3A_231 = arith.constant 16 : index
          %get3A_232 = tpu.vector_load %arg10[%get3A_230, %get3A_231] {strides = array<i32>} : memref<200x128xf32, #tpu.memory_space<vmem>>, vector<16xf32>,
          %swap3A_233 = arith.index_cast %add3A_227 : i32 to index
          %swap3A_234 = arith.constant 16 : index
          %swap3A_235 = tpu.vector_load %arg9[%swap3A_233, %swap3A_234] {strides = array<i32>} : memref<200x128xf32, #tpu.memory_space<vmem>>, vector<16xf32>,
          tpu.vector_store %arg9[%swap3A_233, %swap3A_234], %get3A_232 {add = true, strides = array<i32>} : memref<200x128xf32, #tpu.memory_space<vmem>>, vector<16xf32>,
          %add3A_236 = arith.constant 152 : i32
          %add3A_237 = arith.addi %add3A_236, %scan3A_217 : i32
          %add3A_238 = arith.constant 152 : i32
          %add3A_239 = arith.addi %add3A_238, %scan3A_217 : i32
          %get3A_240 = arith.index_cast %add3A_239 : i32 to index
          %get3A_241 = arith.constant 32 : index
          %get3A_242 = tpu.vector_load %arg10[%get3A_240, %get3A_241] {strides = array<i32>} : memref<200x128xf32, #tpu.memory_space<vmem>>, vector<16xf32>,
          %swap3A_243 = arith.index_cast %add3A_237 : i32 to index
          %swap3A_244 = arith.constant 32 : index
          %swap3A_245 = tpu.vector_load %arg9[%swap3A_243, %swap3A_244] {strides = array<i32>} : memref<200x128xf32, #tpu.memory_space<vmem>>, vector<16xf32>,
          tpu.vector_store %arg9[%swap3A_243, %swap3A_244], %get3A_242 {add = true, strides = array<i32>} : memref<200x128xf32, #tpu.memory_space<vmem>>, vector<16xf32>,
          %add3A_246 = arith.constant 152 : i32
          %add3A_247 = arith.addi %add3A_246, %scan3A_217 : i32
          %add3A_248 = arith.constant 152 : i32
          %add3A_249 = arith.addi %add3A_248, %scan3A_217 : i32
          %get3A_250 = arith.index_cast %add3A_249 : i32 to index
          %get3A_251 = arith.constant 48 : index
          %get3A_252 = tpu.vector_load %arg10[%get3A_250, %get3A_251] {strides = array<i32>} : memref<200x128xf32, #tpu.memory_space<vmem>>, vector<16xf32>,
          %swap3A_253 = arith.index_cast %add3A_247 : i32 to index
          %swap3A_254 = arith.constant 48 : index
          %swap3A_255 = tpu.vector_load %arg9[%swap3A_253, %swap3A_254] {strides = array<i32>} : memref<200x128xf32, #tpu.memory_space<vmem>>, vector<16xf32>,
          tpu.vector_store %arg9[%swap3A_253, %swap3A_254], %get3A_252 {add = true, strides = array<i32>} : memref<200x128xf32, #tpu.memory_space<vmem>>, vector<16xf32>,
          %add3A_256 = arith.constant 152 : i32
          %add3A_257 = arith.addi %add3A_256, %scan3A_217 : i32
          %add3A_258 = arith.constant 152 : i32
          %add3A_259 = arith.addi %add3A_258, %scan3A_217 : i32
          %get3A_260 = arith.index_cast %add3A_259 : i32 to index
          %get3A_261 = arith.constant 64 : index
          %get3A_262 = tpu.vector_load %arg10[%get3A_260, %get3A_261] {strides = array<i32>} : memref<200x128xf32, #tpu.memory_space<vmem>>, vector<16xf32>,
          %swap3A_263 = arith.index_cast %add3A_257 : i32 to index
          %swap3A_264 = arith.constant 64 : index
          %swap3A_265 = tpu.vector_load %arg9[%swap3A_263, %swap3A_264] {strides = array<i32>} : memref<200x128xf32, #tpu.memory_space<vmem>>, vector<16xf32>,
          tpu.vector_store %arg9[%swap3A_263, %swap3A_264], %get3A_262 {add = true, strides = array<i32>} : memref<200x128xf32, #tpu.memory_space<vmem>>, vector<16xf32>,
          %add3A_266 = arith.constant 152 : i32
          %add3A_267 = arith.addi %add3A_266, %scan3A_217 : i32
          %add3A_268 = arith.constant 152 : i32
          %add3A_269 = arith.addi %add3A_268, %scan3A_217 : i32
          %get3A_270 = arith.index_cast %add3A_269 : i32 to index
          %get3A_271 = arith.constant 80 : index
          %get3A_272 = tpu.vector_load %arg10[%get3A_270, %get3A_271] {strides = array<i32>} : memref<200x128xf32, #tpu.memory_space<vmem>>, vector<16xf32>,
          %swap3A_273 = arith.index_cast %add3A_267 : i32 to index
          %swap3A_274 = arith.constant 80 : index
          %swap3A_275 = tpu.vector_load %arg9[%swap3A_273, %swap3A_274] {strides = array<i32>} : memref<200x128xf32, #tpu.memory_space<vmem>>, vector<16xf32>,
          tpu.vector_store %arg9[%swap3A_273, %swap3A_274], %get3A_272 {add = true, strides = array<i32>} : memref<200x128xf32, #tpu.memory_space<vmem>>, vector<16xf32>,
          %add3A_276 = arith.constant 152 : i32
          %add3A_277 = arith.addi %add3A_276, %scan3A_217 : i32
          %add3A_278 = arith.constant 152 : i32
          %add3A_279 = arith.addi %add3A_278, %scan3A_217 : i32
          %get3A_280 = arith.index_cast %add3A_279 : i32 to index
          %get3A_281 = arith.constant 96 : index
          %get3A_282 = tpu.vector_load %arg10[%get3A_280, %get3A_281] {strides = array<i32>} : memref<200x128xf32, #tpu.memory_space<vmem>>, vector<16xf32>,
          %swap3A_283 = arith.index_cast %add3A_277 : i32 to index
          %swap3A_284 = arith.constant 96 : index
          %swap3A_285 = tpu.vector_load %arg9[%swap3A_283, %swap3A_284] {strides = array<i32>} : memref<200x128xf32, #tpu.memory_space<vmem>>, vector<16xf32>,
          tpu.vector_store %arg9[%swap3A_283, %swap3A_284], %get3A_282 {add = true, strides = array<i32>} : memref<200x128xf32, #tpu.memory_space<vmem>>, vector<16xf32>,
          %add3A_286 = arith.constant 152 : i32
          %add3A_287 = arith.addi %add3A_286, %scan3A_217 : i32
          %add3A_288 = arith.constant 152 : i32
          %add3A_289 = arith.addi %add3A_288, %scan3A_217 : i32
          %get3A_290 = arith.index_cast %add3A_289 : i32 to index
          %get3A_291 = arith.constant 112 : index
          %get3A_292 = tpu.vector_load %arg10[%get3A_290, %get3A_291] {strides = array<i32>} : memref<200x128xf32, #tpu.memory_space<vmem>>, vector<16xf32>,
          %swap3A_293 = arith.index_cast %add3A_287 : i32 to index
          %swap3A_294 = arith.constant 112 : index
          %swap3A_295 = tpu.vector_load %arg9[%swap3A_293, %swap3A_294] {strides = array<i32>} : memref<200x128xf32, #tpu.memory_space<vmem>>, vector<16xf32>,
          tpu.vector_store %arg9[%swap3A_293, %swap3A_294], %get3A_292 {add = true, strides = array<i32>} : memref<200x128xf32, #tpu.memory_space<vmem>>, vector<16xf32>,
        }
        %scan3A_201 = arith.constant 48 : i32
        %mul3A_202 = arith.constant 200 : i32
        %mul3A_203 = arith.muli %add3A_94, %mul3A_202 : i32
        %add3A_204 = arith.addi %mul3A_2, %mul3A_203 : i32
        %add3A_205 = arith.constant 152 : i32
        %add3A_206 = arith.addi %add3A_204, %add3A_205 : i32
        %dma_start3A_207 = arith.constant 152 : i32
        %dma_start3A_208 = arith.constant 0 : i32
        %dma_start3A_209 = tpu.memref_slice %arg9[%dma_start3A_207, %dma_start3A_208] : memref<200x128xf32, #tpu.memory_space<vmem>> -> memref<48x128xf32, #tpu.memory_space<vmem>>
        %dma_start3A_210 = arith.constant 0 : i32
        %dma_start3A_211 = tpu.memref_slice %arg5[%add3A_206, %dma_start3A_210] : memref<819200x128xf32, #tpu.memory_space<hbm>> -> memref<48x128xf32, #tpu.memory_space<hbm>>
        %dma_start3A_212 = arith.constant 0 : i32
        %dma_start3A_213 = tpu.memref_slice %arg5[%add3A_206, %dma_start3A_212] : memref<819200x128xf32, #tpu.memory_space<hbm>> -> memref<48x128xf32, #tpu.memory_space<hbm>>
        %dma_start3A_214 = arith.constant 152 : i32
        %dma_start3A_215 = arith.constant 0 : i32
        %dma_start3A_216 = tpu.memref_slice %arg9[%dma_start3A_214, %dma_start3A_215] : memref<200x128xf32, #tpu.memory_space<vmem>> -> memref<48x128xf32, #tpu.memory_space<vmem>>
        tpu.enqueue_dma source(%dma_start3A_216 : memref<48x128xf32, #tpu.memory_space<vmem>>) target(%dma_start3A_213 : memref<48x128xf32, #tpu.memory_space<hbm>>) target_semaphore(%arg15 : memref<!tpu.dma_semaphore, #tpu.memory_space<semaphore_mem>>)
      } else {
      }
      %gt3A_128 = arith.constant 0 : i32
      %gt3A_129 = arith.cmpi sgt, %squeeze3A_72, %gt3A_128 : i32
      %convert_element_type3A_130 = arith.extui %gt3A_129 : i1 to i32
      %cond3A_131 = arith.constant 0 : i32
      %cond3A_132 = arith.cmpi ne, %convert_element_type3A_130, %cond3A_131 : i32
      scf.if %cond3A_132 {
        %scan3A_133 = arith.constant 0 : i32
        %scan3A_134 = arith.constant 0 : i32
        %scan3A_135 = arith.constant 13 : i32
        %scan3A_136 = arith.addi %scan3A_134, %scan3A_135 : i32
        %scan3A_137 = arith.constant 1 : i32
        scf.for %scan3A_176 = %scan3A_134 to %scan3A_136 step %scan3A_137  : i32 {
          %mul3A_177 = arith.constant 16 : i32
          %mul3A_178 = arith.muli %scan3A_176, %mul3A_177 : i32
          %min3A_179 = arith.constant 184 : i32
          %min3A_180 = arith.minsi %mul3A_178, %min3A_179 : i32
          %mul3A_181 = arith.constant 200 : i32
          %mul3A_182 = arith.muli %add3A_94, %mul3A_181 : i32
          %add3A_183 = arith.addi %mul3A_182, %min3A_180 : i32
          %get3A = arith.index_cast %add3A_183 : i32 to index
          %get3A_184 = tpu.vector_load %arg6[%get3A] {strides = array<i32>} : memref<25600xi32, #tpu.memory_space<vmem>>, vector<16xi32>,
          %iota3A = tpu.iota {dimensions = array<i32: 0>} : vector<16xi32>
          %add3A_185 = vector.broadcast %min3A_180 : i32 to vector<16xi32>
          %add3A_186 = arith.addi %iota3A, %add3A_185 : vector<16xi32>
          %ge3A = arith.constant 200 : i32
          %ge3A_187 = vector.broadcast %ge3A : i32 to vector<16xi32>
          %ge3A_188 = arith.cmpi sge, %add3A_186, %ge3A_187 : vector<16xi32>
          %sub3A = arith.constant 200 : i32
          %sub3A_189 = vector.broadcast %sub3A : i32 to vector<16xi32>
          %sub3A_190 = arith.subi %add3A_186, %sub3A_189 : vector<16xi32>
          %select_n3A = arith.select %ge3A_188, %sub3A_190, %add3A_186 : vector<16xi1>, vector<16xi32>
          %add3A_191 = arith.constant 1 : i32
          %add3A_192 = vector.broadcast %add3A_191 : i32 to vector<16xi32>
          %add3A_193 = arith.addi %select_n3A, %add3A_192 : vector<16xi32>
          %eq3A_194 = arith.constant 0 : i32
          %eq3A_195 = vector.broadcast %eq3A_194 : i32 to vector<16xi32>
          %eq3A_196 = arith.cmpi eq, %get3A_184, %eq3A_195 : vector<16xi32>
          %jit3A = arith.constant 0 : i32
          %broadcast_in_dim3A_197 = vector.broadcast %jit3A : i32 to vector<16xi32>
          %select_n3A_198 = arith.select %eq3A_196, %broadcast_in_dim3A_197, %add3A_193 : vector<16xi1>, vector<16xi32>
          %swap3A = arith.index_cast %min3A_180 : i32 to index
          %swap3A_199 = tpu.vector_load %arg7[%swap3A] {strides = array<i32>} : memref<200xi32, #tpu.memory_space<vmem>>, vector<16xi32>,
          tpu.vector_store %arg7[%swap3A], %select_n3A_198 {strides = array<i32>} : memref<200xi32, #tpu.memory_space<vmem>>, vector<16xi32>,
        }
        %scan3A_138 = arith.constant 13 : i32
        %dma_start3A_139 = arith.constant 0 : i32
        %dma_start3A_140 = arith.constant 0 : i32
        %dma_start3A_141 = tpu.memref_slice %arg11[%dma_start3A_139, %dma_start3A_140] : memref<200x128xf32, #tpu.memory_space<vmem>> -> memref<200x128xf32, #tpu.memory_space<vmem>>
        %dma_start3A_142 = arith.constant 0 : i32
        %dma_start3A_143 = tpu.memref_slice %arg7[%dma_start3A_142] : memref<200xi32, #tpu.memory_space<vmem>> -> memref<200xi32, #tpu.memory_space<vmem>>
        %dma_start3A_144 = arith.constant 0 : i32
        %dma_start3A_145 = arith.constant 0 : i32
        %dma_start3A_146 = tpu.memref_slice %arg4[%dma_start3A_144, %dma_start3A_145] : memref<208x128xf32, #tpu.memory_space<hbm>> -> memref<208x128xf32, #tpu.memory_space<hbm>>
        tpu.enqueue_indirect_dma source(%dma_start3A_146 : memref<208x128xf32, #tpu.memory_space<hbm>>) target(%dma_start3A_141 : memref<200x128xf32, #tpu.memory_space<vmem>>) offsets(%dma_start3A_143 : memref<200xi32, #tpu.memory_space<vmem>>) semaphore(%arg16 : memref<!tpu.dma_semaphore, #tpu.memory_space<semaphore_mem>>)
        %dma_wait3A_147 = arith.constant 0 : i32
        %dma_wait3A_148 = arith.constant 0 : i32
        %dma_wait3A_149 = tpu.memref_slice %arg11[%dma_wait3A_147, %dma_wait3A_148] : memref<200x128xf32, #tpu.memory_space<vmem>> -> memref<200x128xf32, #tpu.memory_space<vmem>>
        %dma_wait3A_150 = arith.constant 0 : i32
        %dma_wait3A_151 = tpu.memref_slice %arg7[%dma_wait3A_150] : memref<200xi32, #tpu.memory_space<vmem>> -> memref<200xi32, #tpu.memory_space<vmem>>
        %dma_wait3A_152 = arith.constant 0 : i32
        %dma_wait3A_153 = arith.constant 0 : i32
        %dma_wait3A_154 = tpu.memref_slice %arg4[%dma_wait3A_152, %dma_wait3A_153] : memref<208x128xf32, #tpu.memory_space<hbm>> -> memref<208x128xf32, #tpu.memory_space<hbm>>
        tpu.wait_indirect_dma semaphore(%arg16 : memref<!tpu.dma_semaphore, #tpu.memory_space<semaphore_mem>>) src(%dma_wait3A_154 : memref<208x128xf32, #tpu.memory_space<hbm>>) dst(%dma_wait3A_149 : memref<200x128xf32, #tpu.memory_space<vmem>>)
        %scan3A_155 = arith.constant 0 : i32
        %scan3A_156 = arith.constant 0 : i32
        %scan3A_157 = arith.constant 200 : i32
        %scan3A_158 = arith.addi %scan3A_156, %scan3A_157 : i32
        %scan3A_159 = arith.constant 1 : i32
        scf.for %scan3A_176 = %scan3A_156 to %scan3A_158 step %scan3A_159  : i32 {
          %add3A_177 = arith.constant 0 : i32
          %add3A_178 = arith.addi %add3A_177, %scan3A_176 : i32
          %get3A = arith.index_cast %scan3A_176 : i32 to index
          %get3A_179 = arith.constant 0 : index
          %get3A_180 = tpu.vector_load %arg11[%get3A, %get3A_179] {strides = array<i32>} : memref<200x128xf32, #tpu.memory_space<vmem>>, vector<16xf32>,
          %swap3A = arith.index_cast %add3A_178 : i32 to index
          %swap3A_181 = arith.constant 0 : index
          %swap3A_182 = tpu.vector_load %arg9[%swap3A, %swap3A_181] {strides = array<i32>} : memref<200x128xf32, #tpu.memory_space<vmem>>, vector<16xf32>,
          tpu.vector_store %arg9[%swap3A, %swap3A_181], %get3A_180 {add = true, strides = array<i32>} : memref<200x128xf32, #tpu.memory_space<vmem>>, vector<16xf32>,
          %add3A_183 = arith.constant 0 : i32
          %add3A_184 = arith.addi %add3A_183, %scan3A_176 : i32
          %get3A_185 = arith.index_cast %scan3A_176 : i32 to index
          %get3A_186 = arith.constant 16 : index
          %get3A_187 = tpu.vector_load %arg11[%get3A_185, %get3A_186] {strides = array<i32>} : memref<200x128xf32, #tpu.memory_space<vmem>>, vector<16xf32>,
          %swap3A_188 = arith.index_cast %add3A_184 : i32 to index
          %swap3A_189 = arith.constant 16 : index
          %swap3A_190 = tpu.vector_load %arg9[%swap3A_188, %swap3A_189] {strides = array<i32>} : memref<200x128xf32, #tpu.memory_space<vmem>>, vector<16xf32>,
          tpu.vector_store %arg9[%swap3A_188, %swap3A_189], %get3A_187 {add = true, strides = array<i32>} : memref<200x128xf32, #tpu.memory_space<vmem>>, vector<16xf32>,
          %add3A_191 = arith.constant 0 : i32
          %add3A_192 = arith.addi %add3A_191, %scan3A_176 : i32
          %get3A_193 = arith.index_cast %scan3A_176 : i32 to index
          %get3A_194 = arith.constant 32 : index
          %get3A_195 = tpu.vector_load %arg11[%get3A_193, %get3A_194] {strides = array<i32>} : memref<200x128xf32, #tpu.memory_space<vmem>>, vector<16xf32>,
          %swap3A_196 = arith.index_cast %add3A_192 : i32 to index
          %swap3A_197 = arith.constant 32 : index
          %swap3A_198 = tpu.vector_load %arg9[%swap3A_196, %swap3A_197] {strides = array<i32>} : memref<200x128xf32, #tpu.memory_space<vmem>>, vector<16xf32>,
          tpu.vector_store %arg9[%swap3A_196, %swap3A_197], %get3A_195 {add = true, strides = array<i32>} : memref<200x128xf32, #tpu.memory_space<vmem>>, vector<16xf32>,
          %add3A_199 = arith.constant 0 : i32
          %add3A_200 = arith.addi %add3A_199, %scan3A_176 : i32
          %get3A_201 = arith.index_cast %scan3A_176 : i32 to index
          %get3A_202 = arith.constant 48 : index
          %get3A_203 = tpu.vector_load %arg11[%get3A_201, %get3A_202] {strides = array<i32>} : memref<200x128xf32, #tpu.memory_space<vmem>>, vector<16xf32>,
          %swap3A_204 = arith.index_cast %add3A_200 : i32 to index
          %swap3A_205 = arith.constant 48 : index
          %swap3A_206 = tpu.vector_load %arg9[%swap3A_204, %swap3A_205] {strides = array<i32>} : memref<200x128xf32, #tpu.memory_space<vmem>>, vector<16xf32>,
          tpu.vector_store %arg9[%swap3A_204, %swap3A_205], %get3A_203 {add = true, strides = array<i32>} : memref<200x128xf32, #tpu.memory_space<vmem>>, vector<16xf32>,
          %add3A_207 = arith.constant 0 : i32
          %add3A_208 = arith.addi %add3A_207, %scan3A_176 : i32
          %get3A_209 = arith.index_cast %scan3A_176 : i32 to index
          %get3A_210 = arith.constant 64 : index
          %get3A_211 = tpu.vector_load %arg11[%get3A_209, %get3A_210] {strides = array<i32>} : memref<200x128xf32, #tpu.memory_space<vmem>>, vector<16xf32>,
          %swap3A_212 = arith.index_cast %add3A_208 : i32 to index
          %swap3A_213 = arith.constant 64 : index
          %swap3A_214 = tpu.vector_load %arg9[%swap3A_212, %swap3A_213] {strides = array<i32>} : memref<200x128xf32, #tpu.memory_space<vmem>>, vector<16xf32>,
          tpu.vector_store %arg9[%swap3A_212, %swap3A_213], %get3A_211 {add = true, strides = array<i32>} : memref<200x128xf32, #tpu.memory_space<vmem>>, vector<16xf32>,
          %add3A_215 = arith.constant 0 : i32
          %add3A_216 = arith.addi %add3A_215, %scan3A_176 : i32
          %get3A_217 = arith.index_cast %scan3A_176 : i32 to index
          %get3A_218 = arith.constant 80 : index
          %get3A_219 = tpu.vector_load %arg11[%get3A_217, %get3A_218] {strides = array<i32>} : memref<200x128xf32, #tpu.memory_space<vmem>>, vector<16xf32>,
          %swap3A_220 = arith.index_cast %add3A_216 : i32 to index
          %swap3A_221 = arith.constant 80 : index
          %swap3A_222 = tpu.vector_load %arg9[%swap3A_220, %swap3A_221] {strides = array<i32>} : memref<200x128xf32, #tpu.memory_space<vmem>>, vector<16xf32>,
          tpu.vector_store %arg9[%swap3A_220, %swap3A_221], %get3A_219 {add = true, strides = array<i32>} : memref<200x128xf32, #tpu.memory_space<vmem>>, vector<16xf32>,
          %add3A_223 = arith.constant 0 : i32
          %add3A_224 = arith.addi %add3A_223, %scan3A_176 : i32
          %get3A_225 = arith.index_cast %scan3A_176 : i32 to index
          %get3A_226 = arith.constant 96 : index
          %get3A_227 = tpu.vector_load %arg11[%get3A_225, %get3A_226] {strides = array<i32>} : memref<200x128xf32, #tpu.memory_space<vmem>>, vector<16xf32>,
          %swap3A_228 = arith.index_cast %add3A_224 : i32 to index
          %swap3A_229 = arith.constant 96 : index
          %swap3A_230 = tpu.vector_load %arg9[%swap3A_228, %swap3A_229] {strides = array<i32>} : memref<200x128xf32, #tpu.memory_space<vmem>>, vector<16xf32>,
          tpu.vector_store %arg9[%swap3A_228, %swap3A_229], %get3A_227 {add = true, strides = array<i32>} : memref<200x128xf32, #tpu.memory_space<vmem>>, vector<16xf32>,
          %add3A_231 = arith.constant 0 : i32
          %add3A_232 = arith.addi %add3A_231, %scan3A_176 : i32
          %get3A_233 = arith.index_cast %scan3A_176 : i32 to index
          %get3A_234 = arith.constant 112 : index
          %get3A_235 = tpu.vector_load %arg11[%get3A_233, %get3A_234] {strides = array<i32>} : memref<200x128xf32, #tpu.memory_space<vmem>>, vector<16xf32>,
          %swap3A_236 = arith.index_cast %add3A_232 : i32 to index
          %swap3A_237 = arith.constant 112 : index
          %swap3A_238 = tpu.vector_load %arg9[%swap3A_236, %swap3A_237] {strides = array<i32>} : memref<200x128xf32, #tpu.memory_space<vmem>>, vector<16xf32>,
          tpu.vector_store %arg9[%swap3A_236, %swap3A_237], %get3A_235 {add = true, strides = array<i32>} : memref<200x128xf32, #tpu.memory_space<vmem>>, vector<16xf32>,
        }
        %scan3A_160 = arith.constant 200 : i32
        %mul3A_161 = arith.constant 200 : i32
        %mul3A_162 = arith.muli %add3A_94, %mul3A_161 : i32
        %add3A_163 = arith.addi %mul3A_2, %mul3A_162 : i32
        %add3A_164 = arith.constant 0 : i32
        %add3A_165 = arith.addi %add3A_163, %add3A_164 : i32
        %dma_start3A_166 = arith.constant 0 : i32
        %dma_start3A_167 = arith.constant 0 : i32
        %dma_start3A_168 = tpu.memref_slice %arg9[%dma_start3A_166, %dma_start3A_167] : memref<200x128xf32, #tpu.memory_space<vmem>> -> memref<200x128xf32, #tpu.memory_space<vmem>>
        %dma_start3A_169 = arith.constant 0 : i32
        %dma_start3A_170 = tpu.memref_slice %arg5[%add3A_165, %dma_start3A_169] : memref<819200x128xf32, #tpu.memory_space<hbm>> -> memref<200x128xf32, #tpu.memory_space<hbm>>
        %dma_start3A_171 = arith.constant 0 : i32
        %dma_start3A_172 = tpu.memref_slice %arg5[%add3A_165, %dma_start3A_171] : memref<819200x128xf32, #tpu.memory_space<hbm>> -> memref<200x128xf32, #tpu.memory_space<hbm>>
        %dma_start3A_173 = arith.constant 0 : i32
        %dma_start3A_174 = arith.constant 0 : i32
        %dma_start3A_175 = tpu.memref_slice %arg9[%dma_start3A_173, %dma_start3A_174] : memref<200x128xf32, #tpu.memory_space<vmem>> -> memref<200x128xf32, #tpu.memory_space<vmem>>
        tpu.enqueue_dma source(%dma_start3A_175 : memref<200x128xf32, #tpu.memory_space<vmem>>) target(%dma_start3A_172 : memref<200x128xf32, #tpu.memory_space<hbm>>) target_semaphore(%arg15 : memref<!tpu.dma_semaphore, #tpu.memory_space<semaphore_mem>>)
      } else {
      }
      scf.yield %squeeze3A_109 : i32
    }
    %scan3A_42 = arith.constant 64 : i32
    %dma_wait3A_43 = arith.constant 0 : i32
    %dma_wait3A_44 = arith.constant 0 : i32
    %dma_wait3A_45 = tpu.memref_slice %arg3[%dma_wait3A_43, %dma_wait3A_44] : memref<100000x128xf32, #tpu.memory_space<hbm>> -> memref<200x128xf32, #tpu.memory_space<hbm>>
    %dma_wait3A_46 = arith.constant 0 : i32
    %dma_wait3A_47 = arith.constant 0 : i32
    %dma_wait3A_48 = tpu.memref_slice %arg3[%dma_wait3A_46, %dma_wait3A_47] : memref<100000x128xf32, #tpu.memory_space<hbm>> -> memref<200x128xf32, #tpu.memory_space<hbm>>
    tpu.wait_dma2 semaphore(%arg14 : memref<!tpu.dma_semaphore, #tpu.memory_space<semaphore_mem>>) src(%dma_wait3A_48 : memref<200x128xf32, #tpu.memory_space<hbm>>) dst(%arg8 : memref<200x128xf32, #tpu.memory_space<vmem>>)
    %dma_wait3A_49 = arith.constant 0 : i32
    %dma_wait3A_50 = arith.constant 0 : i32
    %dma_wait3A_51 = tpu.memref_slice %arg3[%dma_wait3A_49, %dma_wait3A_50] : memref<100000x128xf32, #tpu.memory_space<hbm>> -> memref<200x128xf32, #tpu.memory_space<hbm>>
    %dma_wait3A_52 = arith.constant 0 : i32
    %dma_wait3A_53 = arith.constant 0 : i32
    %dma_wait3A_54 = tpu.memref_slice %arg3[%dma_wait3A_52, %dma_wait3A_53] : memref<100000x128xf32, #tpu.memory_space<hbm>> -> memref<200x128xf32, #tpu.memory_space<hbm>>
    tpu.wait_dma2 semaphore(%arg15 : memref<!tpu.dma_semaphore, #tpu.memory_space<semaphore_mem>>) src(%dma_wait3A_54 : memref<200x128xf32, #tpu.memory_space<hbm>>) dst(%arg9 : memref<200x128xf32, #tpu.memory_space<vmem>>)
    return
  }
}

</mosaic_0001>

<sc_bundles>
// kernel: kernel.3.cloned.1.call-start
scs
__scs_entry_jumppad:
0x0: {  	(pc) =	sbr.rel $0x88, $3  }
0x1: {  	(tag) =	ssettag $0x0;
	lr =	simm.s32 $0x1  }
0x2: {  	[smem:$0x3F9E] =	sst lr;
	_ =	strace $0xD0000000  }
0x3: {  	_ = 	snop  }
0x4: {  	_ = 	snop  }
0x5: {  	_ = 	snop  }
0x6: {  	_ = 	snop  }
0x7: {  	_ = 	snop  }
__scs_overlays_trampoline_lowered:
0x8: {  	[smem:$0x3FAD] =	sst s0  }
0x9: {  	[smem:$0x3FAE] =	sst s1  }
0xa: {  	[smem:$0x3FAF] =	sst s2  }
0xb: {  	[smem:$0x3FB0] =	sst s3  }
0xc: {  	[smem:$0x3FB1] =	sst s4  }
0xd: {  	[smem:$0x3FB2] =	sst s5  }
0xe: {  	[smem:$0x3FB3] =	sst s6  }
0xf: {  	[smem:$0x3FB4] =	sst s7  }
0x10: {  	[smem:$0x3FB5] =	sst s8  }
0x11: {  	[smem:$0x3FB6] =	sst s9;
	s0 =	simm.s32 @!p0 $0x0  }
0x12: {  	s1 =	sld [smem:$0x3F9C];
	s0 =	simm.s32 @p0 $0x1  }
0x13: {  	[smem:$0x3FB7] =	sst s0;
	s0 =	simm.s32 @!p1 $0x0  }
0x14: {  	s2 =	sld [smem:$0x3F9B];
	s0 =	simm.s32 @p1 $0x1  }
0x15: {  	[smem:$0x3FB8] =	sst s0;
	s0 =	simm.s32 @!p2 $0x0  }
0x16: {  	s3 =	sld [smem:$0x3FDB];
	s0 =	simm.s32 @p2 $0x1  }
0x17: {  	s4 =	simm.s32 $0x1BF5;
	[smem:$0x3FBA] =	sst s0  }
0x18: {  	s0 =	sld [smem:$0x3F9D];
	_ =	swait.ge [sflag:s4], $0x0  }
0x19: {  	s7 =	sld [smem:$0x3F9E]  }
0x1a: {  	s8 =	sadd.s32 $0xFFFFE003, lr  }
0x1b: {  	s9 =	sadd.s32 $0xFFFFFEF7, lr;
	s5 =	simm.s32 $0xFFFFFFFF;
	p2 =	slt.u32 s8, $0xFFFFF086  }
0x1c: {  	p1 =	slt.u32 s9, $0xF7A;
	s5 =	simm.s32 @!p2 $0x0  }
0x1d: {  	s5 =	simm.s32 @p1 $0x1;
	p0 =	seq.s32 s7, s2  }
0x1e: {  	s7 =	smul.u32 @!p0 $0xF7A, s2;
	p2 =	seq.s32 @!p0 s5, $0x0  }
0x1f: {  	s9 =	smul.u32 $0xF7A, s1;
	s8 =	simm.s32 @!p0 $0x1BF5;
	p2 =	por !p2, p0  }
0x20: {  	[sflag:s8] =	ssyncset.s32 @!p0 $0xFFFFF086;
	s6 =	sadd.s32 @!p0 s3, s7;
	s7 =	simm.s32 @!p0 $0x108  }
0x21: {  	s3 =	sadd.s32 s3, s9;
	s6 =	sadd.s32 @!p0 $0x88, s6;
	s7 =	simm.s32 @p2 $0x1082  }
0x22: {  	[simem:s7], [sflag:s8] =	dma.local @!p0 [hbm:s6], $0xF7A  }
0x23: {  	s9 =	sor.u32 $0xD0000000, s2;
	s6 =	simm.s32 $0x108;
	_ =	swait.ge @!p0 [sflag:s8], $0x0  }
0x24: {  	s3 =	sadd.s32 $0x88, s3;
	s6 =	simm.s32 @!p1 $0x1082;
	[sflag:s4] =	ssyncset.s32 $0xFFFFF086  }
0x25: {  	[simem:s6], [sflag:s4] =	dma.local [hbm:s3], $0xF7A  }
0x26: {  	[smem:$0x3F9E] =	sst s1;
	(tag) =	ssettag s2;
	_ =	strace s9  }
0x27: {  	s1 =	sld [smem:$0x3FAE]  }
0x28: {  	s2 =	sld [smem:$0x3FAF]  }
0x29: {  	s4 =	sld [smem:$0x3FB1]  }
0x2a: {  	p0 =	seq.s32 s5, $0x0;
	s5 =	sld [smem:$0x3FB2]  }
0x2b: {  	s6 =	sld [smem:$0x3FB3]  }
0x2c: {  	s7 =	sld [smem:$0x3FB4]  }
0x2d: {  	s3 =	simm.s32 $0x108;
	s8 =	sld [smem:$0x3FB5]  }
0x2e: {  	s3 =	simm.s32 @!p0 $0x1082;
	s9 =	sld [smem:$0x3FB6]  }
0x2f: {  	lr =	sadd.s32 s0, s3;
	s0 =	sld [smem:$0x3FAD]  }
0x30: {  	s3 =	sld [smem:$0x3FB0]  }
0x31: {  	[smem:$0x3FB9] =	sst s10  }
0x32: {  	s10 =	sld [smem:$0x3FB7];
	_ =	sdelay $0x3  }
0x33: {  	p0 =	seq.s32 s10, $0x1;
	s10 =	sld [smem:$0x3FB9];
	_ =	sdelay $0x3  }
0x34: {  	[smem:$0x3FB9] =	sst s10  }
0x35: {  	s10 =	sld [smem:$0x3FB8];
	_ =	sdelay $0x3  }
0x36: {  	p1 =	seq.s32 s10, $0x1;
	s10 =	sld [smem:$0x3FB9];
	_ =	sdelay $0x3  }
0x37: {  	[smem:$0x3FB9] =	sst s10  }
0x38: {  	s10 =	sld [smem:$0x3FBA]  }
0x39: {  	_ = 	snop;
	(pc) =	sbr.ind lr, $3  }
0x3a: {  	_ = 	snop  }
0x3b: {  	_ = 	snop  }
0x3c: {  	p2 =	seq.s32 s10, $0x1;
	s10 =	sld [smem:$0x3FB9]  }
0x3d: {  	_ =	shalt  }
0x3e: {  	_ =	shalt  }
0x3f: {  	_ =	shalt  }
0x40: {  	_ =	shalt  }
0x41: {  	_ =	shalt  }
0x42: {  	_ =	shalt  }
0x43: {  	_ =	shalt  }
0x44: {  	_ =	shalt  }
0x45: {  	_ =	shalt  }
0x46: {  	_ =	shalt  }
0x47: {  	_ =	shalt  }
0x48: {  	_ =	shalt  }
0x49: {  	_ =	shalt  }
0x4a: {  	_ =	shalt  }
0x4b: {  	_ =	shalt  }
0x4c: {  	_ =	shalt  }
0x4d: {  	_ =	shalt  }
0x4e: {  	_ =	shalt  }
0x4f: {  	_ =	shalt  }
0x50: {  	_ =	shalt  }
0x51: {  	_ =	shalt  }
0x52: {  	_ =	shalt  }
0x53: {  	_ =	shalt  }
0x54: {  	_ =	shalt  }
0x55: {  	_ =	shalt  }
0x56: {  	_ =	shalt  }
0x57: {  	_ =	shalt  }
0x58: {  	_ =	shalt  }
0x59: {  	_ =	shalt  }
0x5a: {  	_ =	shalt  }
0x5b: {  	_ =	shalt  }
0x5c: {  	_ =	shalt  }
0x5d: {  	_ =	shalt  }
0x5e: {  	_ =	shalt  }
0x5f: {  	_ =	shalt  }
0x60: {  	_ =	shalt  }
0x61: {  	_ =	shalt  }
0x62: {  	_ =	shalt  }
0x63: {  	_ =	shalt  }
0x64: {  	_ =	shalt  }
0x65: {  	_ =	shalt  }
0x66: {  	_ =	shalt  }
0x67: {  	_ =	shalt  }
0x68: {  	_ =	shalt  }
0x69: {  	_ =	shalt  }
0x6a: {  	_ =	shalt  }
0x6b: {  	_ =	shalt  }
0x6c: {  	_ =	shalt  }
0x6d: {  	_ =	shalt  }
0x6e: {  	_ =	shalt  }
0x6f: {  	_ =	shalt  }
0x70: {  	_ =	shalt  }
0x71: {  	_ =	shalt  }
0x72: {  	_ =	shalt  }
0x73: {  	_ =	shalt  }
0x74: {  	_ =	shalt  }
0x75: {  	_ =	shalt  }
0x76: {  	_ =	shalt  }
0x77: {  	_ =	shalt  }
0x78: {  	_ =	shalt  }
0x79: {  	_ =	shalt  }
0x7a: {  	_ =	shalt  }
0x7b: {  	_ =	shalt  }
0x7c: {  	_ =	shalt  }
0x7d: {  	_ =	shalt  }
0x7e: {  	_ =	shalt  }
0x7f: {  	_ =	shalt  }
0x80: {  	_ =	shalt  }
0x81: {  	_ =	shalt  }
0x82: {  	_ =	shalt  }
0x83: {  	_ =	shalt  }
0x84: {  	_ =	shalt  }
0x85: {  	_ =	shalt  }
0x86: {  	_ =	shalt  }
0x87: {  	_ =	shalt  }
.Lfunc_end0:
.L_simem_size_0:
called_computation_lowered:
.L_overlay_start_0:
0x88: {  	s2 =	sld [smem:$0x3FD9]  }
0x89: {  	s3 =	sld [smem:$0x3FFE];
	_ =	sdelay $0x1  }
0x8a: {  	s1 =	srdreg.scid  }
0x8b: {  	s0 =	sand.u32 $0x1, s1  }
0x8c: {  	s17 =	sshll.u32 s0, $0xA;
	s2 =	sadd.s32 s3, s2  }
0x8d: {  	s2 =	sadd.s32 s2, s17  }
0x8e: {  	[smem:$0x3FC5] =	sst s2  }
0x8f: {  	_ = 	snop  }
0x90: {  	s2 =	sld [smem:$0x3FC8]  }
0x91: {  	s18 =	sld [smem:$0x3FD0];
	(tm) =	ssettm $0x1  }
0x92: {  	s4 =	sld [smem:$0x3FFB];
	_ =	sdelay $0x3  }
0x93: {  	_ =	strace s4  }
0x94: {  	s4 =	sld [smem:$0x3FFC];
	_ =	sdelay $0x3  }
0x95: {  	_ =	strace s4  }
0x96: {  	s4 =	sld [smem:$0x3FFD];
	_ =	sdelay $0x3  }
0x97: {  	_ =	strace s4  }
0x98: {  	_ =	strace $0x8FFFFFFF  }
0x99: {  	s19 =	sld [smem:$0x3FDB];
	_ =	sdelay $0x1  }
0x9a: {  	s5 =	simm.s32 $_scs_section_size  }
0x9b: {  	s6 =	simm.s32 $_size__tile_overlayer_lowered;
	s7 =	simm.s32 $_tile_overlayer_lowered  }
0x9c: {  	s22 =	simm.s32 $0x1BFF;
	s21 =	sshll.u32 s7, $0x1;
	s4 =	sadd.s32 s5, s19  }
0x9d: {  	s8 =	simm.s32 $0x0;
	s20 =	sshll.u32 s6, $0x1;
	s6 =	sadd.s32 s21, s4  }
0x9e: {  	[timem:s8], [sflag:s22] =	dma.local [hbm:s6], s20  }
0x9f: {  	_ =	swait.ge [sflag:s22], s20  }
0xa0: {  	s5 =	ssub.s32 $0x0, s20;
	[sflag:s22] =	ssyncset.done $0x0  }
0xa1: {  	[sflag:s22] =	ssyncadd.s32 s5;
	_ =	sdelay $0x1  }
0xa2: {  	s23 =	simm.s32 $0x1B8B  }
0xa3: {  	_ =	swait.ge [sflag:s23], $0x1  }
0xa4: {  	[sflag:s23] =	ssyncset.done $0x0  }
0xa5: {  	s25 =	simm.s32 $0x1B8E;
	s24 =	sld [smem:$0x3FFE];
	[sflag:s23] =	ssyncadd.s32 $0xFFFFFFFF  }
0xa6: {  	s26 =	simm.s32 $execute0_lowered;
	[smem:$0x3FD2] =	sst s25  }
0xa7: {  	s6 =	sshll.u32 s26, $0x1;
	_ =	strace $0x80000046;
	[dreg:$0x1] =	wrdreg $0xFFFFFFFF  }
0xa8: {  	s28 =	simm.s32 $_size_execute0_lowered;
	s4 =	sadd.s32 s4, s6;
	[dreg:$0x0] =	wrdreg $0x0  }
0xa9: {  	s6 =	sshll.u32 s28, $0x1;
	[dreg:$0x2] =	wrdreg s4  }
0xaa: {  	[dreg:$0x3] =	wrdreg s6  }
0xab: {  	[dreg:$0x4] =	wrdreg $0xC0  }
0xac: {  	_ =	task [dreg:s8], $0x5FFFF  }
0xad: {  	[dreg:$0x1] =	wrdreg $0xFFFFFFFF  }
0xae: {  	[dreg:$0x0] =	wrdreg $0x60  }
0xaf: {  	[dreg:$0x2] =	wrdreg s24  }
0xb0: {  	[dreg:$0x3] =	wrdreg s2  }
0xb1: {  	[dreg:$0x4] =	wrdreg s18  }
0xb2: {  	[dreg:$0x5] =	wrdreg $0x9  }
0xb3: {  	_ =	task.clear_ibuf [dreg:s8], $0x6FFFF;
	_ =	strace $0x90000046  }
0xb4: {  	s29 =	simm.s32 $0x9;
	_ =	strace $0x80000048  }
0xb5: {  	_ =	swait.ge [sflag:s29], $0x1  }
0xb6: {  	[sflag:s29] =	ssyncadd.s32 $0xFFFFFFFF  }
0xb7: {  	_ =	strace $0x90000048  }
0xb8: {  	_ =	sfence  }
0xb9: {  	s30 =	sld [smem:$0x0];
	_ =	sdelay $0x2  }
0xba: {  	s31 =	sshll.u32 s1, $0xD;
	s1 =	sshrl.u32 s1, $0x2  }
0xbb: {  	s3 =	sand.u32 $0x4000, s31;
	s1 =	sadd.s32 s1, s30  }
0xbc: {  	s0 =	sor.u32 s3, s0;
	s1 =	sshll.u32 s1, $0x11  }
0xbd: {  	s0 =	sor.u32 s1, s0  }
0xbe: {  	s0 =	sadd.s32 $0x8F2B, s0  }
0xbf: {  	[sflag:s0] =	ssyncadd.remote.s32 $0x1  }
0xc0: {  	_ =	sfence.sel $0xFFFF  }
0xc1: {  	[dreg:$0x0] =	wrdreg $0xFFFFFFFF;
	(pc) =	sbr.abs _section_cstart, $3  }
0xc2: {  	[dreg:$0x1] =	wrdreg $0xFFFFFFFF  }
0xc3: {  	_ =	task.clear_ibuf [dreg:s8], $0x2FFFF;
	_ =	strace $0x9FFFFFFF  }
0xc4: {  	(tm) =	ssettm $0x7FFFFFFF  }
0xc5: {  	_ =	shalt  }
tec
execute0_lowered:
.L_overlay_start_1:
0x0: {  	(tag) =	ssettag $0x1  }
0x1: {  	s0 =	rddreg [dreg:$0x0];
	s1 =	srdreg.scid  }
0x2: {  	s3 =	stileid.u32;
	s2 =	rddreg [dreg:$0x1]  }
0x3: {  	s13 =	simm.s32 $0x6400;
	s15 =	simm.s32 $0x5;
	s16 =	simm.s32 $0x6500  }
0x4: {  	s17 =	simm.s32 $0xC8;
	s18 =	simm.s32 $0xC900;
	s19 =	simm.s32 $0x1  }
0x5: {  	s23 =	simm.s32 $0x2;
	s25 =	simm.s32 $0xFD00;
	s26 =	simm.s32 $0x11500  }
0x6: {  	s30 =	simm.s32 $0x19100;
	s1 =	sand.u32 $0x1, s1;
	s4 =	sshll.u32 s3, $0x1  }
0x7: {  	s31 =	simm.s32 $0x0;
	s3 =	rddreg [dreg:$0x2];
	s5 =	sor.u32 s1, s4  }
0x8: {  	s4 =	simm.s32 $0x0;
	s1 =	ssub.s32 $0x2, s1;
	s5 =	smul.u32 $0x6400, s5  }
.Ltmp0:
0x9: {  	s9 =	sadd.s32 $0x680, s3;
	s7 =	sshrl.u32 s1, $0x1;
	(pc) =	sbr.rel .LBB2_1-.Ltmp0, $4  }
0xa: {  	[smem:$0x7FF] =	sst s4;
	s28 =	ssub.s32 s1, s7;
	s6 =	sshrl.u32 s5, $0x3  }
0xb: {  	s8 =	sadd.s32 s6, s0;
	s6 =	sadd.s32 $0x19600, s0;
	s0 =	smax.u32 s28, $0x1  }
0xc: {  	v0 =	vlaneseq.u32;
	_ =	strace $0x80000047;
	s29 =	sadd.s32 $0x600, s8;
	[dreg:$0x5] =	wrdreg s0  }
0xd: {  	v1 =	vadd.s32 $0xFFFFFF38, v0;
	v2 =	vadd.s32 $0xB9, v0;
	s10 =	sadd.s32 $0x980, s3;
	s8 =	sadd.s32 $0x380, s3;
	[dreg:$0x4] =	wrdreg s29  }
.LBB2_37:
0xe: {  	s0 =	simm.s32 $0x3  }
0xf: {  	_ =	swait.ge [sflag:s0], $0x6400  }
0x10: {  	[sflag:s0] =	ssyncset.done $0x0  }
0x11: {  	s1 =	simm.s32 $0x4;
	[sflag:s0] =	ssyncadd.s32 $0xFFFF9C00  }
0x12: {  	_ =	swait.ge [sflag:s1], $0x6400  }
0x13: {  	s31 =	sadd.s32 $0x1, s31;
	s29 =	rddreg [dreg:$0x5]  }
0x14: {  	p0 =	sne.s32 s31, s29  }
.Ltmp1:
0x15: {  	_ = 	snop;
	(pc) =	sbr.rel @!p0 .LBB2_38-.Ltmp1, $3  }
0x16: {  	_ =	sdelay $0x1  }
0x17: {  	[sflag:s1] =	ssyncset.done $0x0  }
0x18: {  	[sflag:s1] =	ssyncadd.s32 $0xFFFF9C00  }
.LBB2_1:
0x19: {  	s0 =	rddreg [dreg:$0x4];
	s29 =	simm.s32 $0x6  }
0x1a: {  	v3 =	vadd.s32 s4, v0;
	[tilespmem:s4], [sflag:$0x6] =	stream.linear.gather [hbm4b:s0+s4], $0x6400, $0x38;
	[tilespmem:$0x1F500] =	vst v63  }
0x1b: {  	v4 =	vadd.s32 s4, v1;
	vm0 =	vgt.u32 v3, $0xC7;
	_ =	swait.ge [sflag:s29], $0x6400  }
0x1c: {  	v3 =	vsel vm0, v4, v3;
	[sflag:s29] =	ssyncset.done $0x0  }
0x1d: {  	v3 =	vadd.s32 $0x1, v3;
	[sflag:s29] =	ssyncadd.s32 $0xFFFF9C00  }
0x1e: {  	s1 =	simm.s32 $0x6400;
	s0 =	simm.s32 $0x10;
	[tilespmem:s13+$0x0] =	vst v3  }
.LBB2_2:
0x1f: {  	p0 =	sne.s32 s0, $0xB0  }
.Ltmp2:
0x20: {  	v3 =	vadd.s32 s0, v0;
	s7 =	smov.u32 s0;
	s0 =	sadd.s32 $0x10, s0;
	(pc) =	sbr.rel @p0 .LBB2_2-.Ltmp2, $4  }
0x21: {  	vm0 =	vgt.u32 v3, $0xC7;
	v4 =	vadd.s32 s7, v1  }
0x22: {  	v3 =	vsel vm0, v4, v3  }
0x23: {  	s1 =	sadd.s32 $0x10, s1;
	v3 =	vadd.s32 $0x1, v3  }
0x24: {  	[tilespmem:s1+$0x0] =	vst v3  }
0x25: {  	[tilespmem:$0x64B8] =	vst v2;
	s1 =	simm.s32 $0xC8;
	s0 =	simm.s32 $0x12D00  }
0x26: {  	[tilespmem:s0], [sflag:$0x5] =	stream.indirect.gather [hbm4b:s6+s1], $0x80, s13, s1, $0xb8;
	[tilespmem:$0x1F500] =	vst v63  }
0x27: {  	_ =	swait.ge [sflag:s15], $0x6400  }
0x28: {  	[sflag:s15] =	ssyncset.done $0x0  }
0x29: {  	[sflag:s15] =	ssyncadd.s32 $0xFFFF9C00  }
0x2a: {  	v3 =	vld [tilespmem:$0x0]  }
0x2b: {  	v4 =	vld [tilespmem:$0x10]  }
0x2c: {  	v5 =	vld [tilespmem:$0x20]  }
0x2d: {  	v6 =	vld [tilespmem:$0x30]  }
0x2e: {  	v7 =	vld [tilespmem:$0x40]  }
0x2f: {  	v8 =	vld [tilespmem:$0x50]  }
0x30: {  	vm0 =	veq.s32 v3, $0x0;
	vm1 =	veq.s32 v4, $0x0;
	v3 =	vld [tilespmem:$0x60]  }
0x31: {  	v59 =	vld [tilespmem:$0x70];
	vm5 =	veq.s32 v5, $0x0;
	vm0 =	vmor vm0, vm1  }
0x32: {  	v60 =	vld [tilespmem:$0x80];
	vm6 =	veq.s32 v6, $0x0;
	vm0 =	vmor vm0, vm5  }
0x33: {  	v61 =	vld [tilespmem:$0x90];
	vm7 =	veq.s32 v7, $0x0;
	vm0 =	vmor vm0, vm6  }
0x34: {  	v62 =	vld [tilespmem:$0xA0];
	vm8 =	veq.s32 v8, $0x0;
	vm0 =	vmor vm0, vm7  }
0x35: {  	vm0 =	vmor vm0, vm8;
	vm9 =	veq.s32 v3, $0x0;
	v3 =	vld [tilespmem:$0xB0]  }
0x36: {  	v63 =	vld [tilespmem:$0xB8];
	vm10 =	veq.s32 v59, $0x0;
	vm0 =	vmor vm0, vm9  }
0x37: {  	vm11 =	veq.s32 v60, $0x0;
	vm0 =	vmor vm0, vm10  }
0x38: {  	vm12 =	veq.s32 v61, $0x0;
	vm0 =	vmor vm0, vm11  }
0x39: {  	vm13 =	veq.s32 v62, $0x0;
	vm0 =	vmor vm0, vm12  }
0x3a: {  	vm0 =	vmor vm0, vm13;
	vm14 =	veq.s32 v3, $0x0  }
0x3b: {  	vm15 =	veq.s32 v63, $0x0;
	vm0 =	vmor vm0, vm14  }
0x3c: {  	vm0 =	vmor vm0, vm15  }
0x3d: {  	v3 =	vmpcnt.ones.xlane vm0;
	_ =	sdelay $0x1  }
0x3e: {  	(v2sf) =	vpush v3, $0x0;
	_ =	sdelay $0xa  }
.Ltmp3:
0x3f: {  	_ = 	snop;
	(pc) =	sbr.rel .LBB2_4-.Ltmp3, $4  }
0x40: {  	_ = 	snop  }
0x41: {  	s0 =	simm.s32 $0x0  }
0x42: {  	[tilespmem:s16], [sflag:$0x1] =	stream.indirect.gather [hbm4b:s2+s1], $0x80, s0, s1, $0xb8;
	[tilespmem:$0x1F500] =	vst v63  }
0x43: {  	s14 =	simm.s32 $0x0;
	s7 =	simm.s32 $0x0;
	s28 =	spop (v2sf)  }
.LBB2_36:
0x44: {  	s7 =	sadd.s32 $0x1, s7  }
0x45: {  	p0 =	sne.s32 s7, $0x40  }
.Ltmp4:
0x46: {  	_ = 	snop;
	(pc) =	sbr.rel @!p0 .LBB2_37-.Ltmp4, $2  }
0x47: {  	_ =	sdelay $0x2  }
0x48: {  	s14 =	sadd.s32 $0x190, s14;
	s1 =	sadd.s32 $0x190, s1  }
.LBB2_4:
0x49: {  	s11 =	sshllo.u32 s7, $0x1  }
0x4a: {  	s12 =	smul.u32 $0x320, s11;
	_ =	sdelay $0x1  }
0x4b: {  	s12 =	sshra.s32 s12, $0x2  }
0x4c: {  	v3 =	vld [tilespmem:s12+$0x0]  }
0x4d: {  	v4 =	vld [tilespmem:s12+$0x10]  }
0x4e: {  	v5 =	vld [tilespmem:s12+$0x20]  }
0x4f: {  	v6 =	vld [tilespmem:s12+$0x30]  }
0x50: {  	v7 =	vld [tilespmem:s12+$0x40]  }
0x51: {  	v8 =	vld [tilespmem:s12+$0x50]  }
0x52: {  	vm0 =	veq.s32 v3, $0x0;
	vm1 =	veq.s32 v4, $0x0;
	v3 =	vld [tilespmem:s12+$0x60]  }
0x53: {  	v59 =	vld [tilespmem:s12+$0x70];
	vm5 =	veq.s32 v5, $0x0;
	vm0 =	vmor vm0, vm1  }
0x54: {  	v60 =	vld [tilespmem:s12+$0x80];
	vm6 =	veq.s32 v6, $0x0;
	vm0 =	vmor vm0, vm5  }
0x55: {  	v61 =	vld [tilespmem:s12+$0x90];
	vm7 =	veq.s32 v7, $0x0;
	vm0 =	vmor vm0, vm6  }
0x56: {  	v62 =	vld [tilespmem:s12+$0xA0];
	vm8 =	veq.s32 v8, $0x0;
	vm0 =	vmor vm0, vm7  }
0x57: {  	vm0 =	vmor vm0, vm8;
	vm9 =	veq.s32 v3, $0x0;
	v3 =	vld [tilespmem:s12+$0xB0]  }
0x58: {  	v63 =	vld [tilespmem:s12+$0xB8];
	vm10 =	veq.s32 v59, $0x0;
	vm0 =	vmor vm0, vm9  }
0x59: {  	vm11 =	veq.s32 v60, $0x0;
	vm0 =	vmor vm0, vm10  }
0x5a: {  	vm12 =	veq.s32 v61, $0x0;
	vm0 =	vmor vm0, vm11  }
0x5b: {  	vm13 =	veq.s32 v62, $0x0;
	vm0 =	vmor vm0, vm12  }
0x5c: {  	vm0 =	vmor vm0, vm13;
	vm14 =	veq.s32 v3, $0x0  }
0x5d: {  	vm15 =	veq.s32 v63, $0x0;
	vm0 =	vmor vm0, vm14  }
0x5e: {  	vm0 =	vmor vm0, vm15  }
0x5f: {  	v3 =	vmpcnt.ones.xlane vm0;
	_ =	sdelay $0x1  }
0x60: {  	(v2sf) =	vpush v3, $0x0;
	_ =	sdelay $0xd  }
0x61: {  	p0 =	seq.s32 s7, $0x0  }
0x62: {  	s20 =	simm.s32 @!p0 $0x4;
	s29 =	spop (v2sf)  }
0x63: {  	_ =	swait.ge @!p0 [sflag:s20], $0x6400  }
0x64: {  	[sflag:s20] =	ssyncset.done @!p0 $0x0  }
0x65: {  	[sflag:s20] =	ssyncadd.s32 @!p0 $0xFFFF9C00;
	p0 =	sne.s32 s28, $0x0  }
.Ltmp5:
0x66: {  	_ = 	snop;
	(pc) =	sbr.rel @!p0 .LBB2_5-.Ltmp5, $4  }
0x67: {  	[tilespmem:s18], [sflag:$0x2] =	stream.indirect.gather [hbm4b:s2+s17], $0x80, s12, s17, $0xb8;
	[tilespmem:$0x1F500] =	vst v63  }
0x68: {  	_ =	swait.ge [sflag:s19], $0x6400  }
0x69: {  	[sflag:s19] =	ssyncset.done $0x0  }
0x6a: {  	[sflag:s19] =	ssyncadd.s32 $0xFFFF9C00  }
0x6b: {  	p0 =	slt.s32 s28, $0x1  }
.Ltmp6:
0x6c: {  	_ = 	snop;
	(pc) =	sbr.rel @p0 .LBB2_20-.Ltmp6, $1  }
0x6d: {  	_ =	sdelay $0x3  }
0x6e: {  	v3 =	vld [tilespmem:s14+$0x0]  }
0x6f: {  	s20 =	simm.s32 $0x0  }
0x70: {  	v4 =	vadd.s32 s20, v0  }
0x71: {  	v5 =	vadd.s32 s20, v1;
	vm0 =	vgt.u32 v4, $0xC7  }
0x72: {  	v4 =	vsel vm0, v5, v4  }
0x73: {  	v4 =	vadd.s32 $0x1, v4;
	vm15 =	veq.s32 v3, $0x0  }
0x74: {  	s21 =	smul.u32 $0x640, s7;
	s20 =	simm.s32 $0x6400;
	v3 =	vsel vm15, $0x0, v4  }
0x75: {  	s22 =	sadd.s32 $0x10, s14;
	[tilespmem:s20+$0x0] =	vst v3  }
0x76: {  	s24 =	simm.s32 $0x20;
	s28 =	sshra.s32 s21, $0x2;
	s21 =	simm.s32 $0x10;
	v3 =	vld [tilespmem:s22+$0x0]  }
.LBB2_16:
0x77: {  	p0 =	sne.s32 s24, $0xB0  }
0x78: {  	v4 =	vadd.s32 s21, v0  }
0x79: {  	v5 =	vadd.s32 s21, v1;
	s21 =	smov.u32 s24;
	vm0 =	vgt.u32 v4, $0xC7  }
.Ltmp7:
0x7a: {  	v4 =	vsel vm0, v5, v4;
	(pc) =	sbr.rel @p0 .LBB2_16-.Ltmp7, $4  }
0x7b: {  	v4 =	vadd.s32 $0x1, v4;
	vm0 =	veq.s32 v3, $0x0  }
0x7c: {  	s20 =	sadd.s32 $0x10, s20;
	v3 =	vsel vm0, $0x0, v4  }
0x7d: {  	s22 =	sadd.s32 $0x10, s22;
	[tilespmem:s20+$0x0] =	vst v3  }
0x7e: {  	s24 =	sadd.s32 $0x10, s24;
	v3 =	vld [tilespmem:s22+$0x0]  }
0x7f: {  	_ = 	snop  }
0x80: {  	v4 =	vadd.s32 s21, v0  }
0x81: {  	v5 =	vadd.s32 s21, v1;
	vm0 =	vgt.u32 v4, $0xC7  }
0x82: {  	v4 =	vsel vm0, v5, v4  }
0x83: {  	v4 =	vadd.s32 $0x1, v4;
	vm14 =	veq.s32 v3, $0x0  }
0x84: {  	s20 =	sadd.s32 $0x10, s20;
	v3 =	vsel vm14, $0x0, v4  }
0x85: {  	[tilespmem:s20+$0x0] =	vst v3  }
0x86: {  	v3 =	vld [tilespmem:s28+$0xB8];
	_ =	sdelay $0x4  }
0x87: {  	vm15 =	veq.s32 v3, $0x0  }
0x88: {  	v3 =	vsel vm15, $0x0, v2  }
0x89: {  	[tilespmem:$0x64B8] =	vst v3  }
0x8a: {  	[tilespmem:s30], [sflag:$0x5] =	stream.indirect.gather [hbm4b:s6+s17], $0x80, s13, s17, $0xb8;
	[tilespmem:$0x1F500] =	vst v63  }
0x8b: {  	_ =	swait.ge [sflag:s15], $0x6400  }
0x8c: {  	[sflag:s15] =	ssyncset.done $0x0  }
0x8d: {  	s21 =	simm.s32 $0x200;
	s20 =	simm.s32 $0x0;
	[sflag:s15] =	ssyncadd.s32 $0xFFFF9C00  }
.LBB2_18:
0x8e: {  	p0 =	sne.s32 s21, $0x18E00;
	v3 =	vld [tilespmem:s20+$0x19170]  }
0x8f: {  	v4 =	vld [tilespmem:s20+$0x19100]  }
0x90: {  	v5 =	vld [tilespmem:s20+$0x19110]  }
0x91: {  	v6 =	vld [tilespmem:s20+$0x19120]  }
0x92: {  	v7 =	vld [tilespmem:s20+$0x19130]  }
0x93: {  	[tilespmem:s20+$0x6570] =	vst.add.f32.msk $0xffff, v3  }
0x94: {  	v3 =	vld [tilespmem:s20+$0x19140]  }
0x95: {  	v8 =	vld [tilespmem:s20+$0x19150]  }
0x96: {  	v9 =	vld [tilespmem:s20+$0x19160]  }
0x97: {  	[tilespmem:s20+$0x6500] =	vst.add.f32.msk $0xffff, v4  }
0x98: {  	[tilespmem:s20+$0x6510] =	vst.add.f32.msk $0xffff, v5  }
.Ltmp8:
0x99: {  	[tilespmem:s20+$0x6520] =	vst.add.f32.msk $0xffff, v6;
	(pc) =	sbr.rel @p0 .LBB2_18-.Ltmp8, $4  }
0x9a: {  	[tilespmem:s20+$0x6530] =	vst.add.f32.msk $0xffff, v7  }
0x9b: {  	[tilespmem:s20+$0x6540] =	vst.add.f32.msk $0xffff, v3  }
0x9c: {  	[tilespmem:s20+$0x6550] =	vst.add.f32.msk $0xffff, v8  }
0x9d: {  	[tilespmem:s20+$0x6560] =	vst.add.f32.msk $0xffff, v9;
	s20 =	sshra.s32 s21, $0x2;
	s21 =	sadd.s32 $0x200, s21  }
0x9e: {  	v3 =	vld [tilespmem:s20+$0x19170]  }
0x9f: {  	v4 =	vld [tilespmem:s20+$0x19100]  }
0xa0: {  	v5 =	vld [tilespmem:s20+$0x19110]  }
0xa1: {  	v6 =	vld [tilespmem:s20+$0x19120]  }
0xa2: {  	v7 =	vld [tilespmem:s20+$0x19130]  }
0xa3: {  	v8 =	vld [tilespmem:s20+$0x19150]  }
0xa4: {  	v9 =	vld [tilespmem:s20+$0x19160]  }
0xa5: {  	[tilespmem:s20+$0x6570] =	vst.add.f32.msk $0xffff, v3  }
0xa6: {  	v3 =	vld [tilespmem:s20+$0x19140]  }
0xa7: {  	[tilespmem:s20+$0x6500] =	vst.add.f32.msk $0xffff, v4  }
0xa8: {  	[tilespmem:s20+$0x6510] =	vst.add.f32.msk $0xffff, v5  }
0xa9: {  	s21 =	smul.u32 $0x190, s7;
	[tilespmem:s20+$0x6520] =	vst.add.f32.msk $0xffff, v6  }
.Ltmp9:
0xaa: {  	[tilespmem:s20+$0x6530] =	vst.add.f32.msk $0xffff, v7;
	(pc) =	sbr.rel .LBB2_20-.Ltmp9, $4  }
0xab: {  	s21 =	sadd.s32 s5, s21;
	[tilespmem:s20+$0x6550] =	vst.add.f32.msk $0xffff, v8  }
0xac: {  	s21 =	sshll.u32 s21, $0x4;
	[tilespmem:s20+$0x6560] =	vst.add.f32.msk $0xffff, v9  }
0xad: {  	s28 =	sadd.s32 s3, s21;
	[tilespmem:s20+$0x6540] =	vst.add.f32.msk $0xffff, v3  }
0xae: {  	[hbm4b:s28+s4] =	stream.linear.scatter [tilespmem:s16], [sflag:$0x3], $0x6400, $0x38;
	[tilespmem:$0x1F500] =	vst v63  }
.LBB2_5:
0xaf: {  	s20 =	sshra.s32 s0, $0x2;
	s28 =	sadd.s32 $0x200, s0  }
.LBB2_6:
0xb0: {  	p0 =	sne.s32 s28, $0x6E00;
	v3 =	vld [tilespmem:s20+$0x12D70]  }
0xb1: {  	v4 =	vld [tilespmem:s20+$0x12D00]  }
0xb2: {  	v5 =	vld [tilespmem:s20+$0x12D10]  }
0xb3: {  	v6 =	vld [tilespmem:s20+$0x12D20]  }
0xb4: {  	v7 =	vld [tilespmem:s20+$0x12D30]  }
0xb5: {  	[tilespmem:s20+$0x6570] =	vst.add.f32.msk $0xffff, v3  }
0xb6: {  	v3 =	vld [tilespmem:s20+$0x12D40]  }
0xb7: {  	v8 =	vld [tilespmem:s20+$0x12D50]  }
0xb8: {  	v9 =	vld [tilespmem:s20+$0x12D60]  }
0xb9: {  	[tilespmem:s20+$0x6500] =	vst.add.f32.msk $0xffff, v4  }
0xba: {  	[tilespmem:s20+$0x6510] =	vst.add.f32.msk $0xffff, v5  }
.Ltmp10:
0xbb: {  	[tilespmem:s20+$0x6520] =	vst.add.f32.msk $0xffff, v6;
	(pc) =	sbr.rel @p0 .LBB2_6-.Ltmp10, $4  }
0xbc: {  	[tilespmem:s20+$0x6530] =	vst.add.f32.msk $0xffff, v7  }
0xbd: {  	[tilespmem:s20+$0x6540] =	vst.add.f32.msk $0xffff, v3  }
0xbe: {  	[tilespmem:s20+$0x6550] =	vst.add.f32.msk $0xffff, v8  }
0xbf: {  	[tilespmem:s20+$0x6560] =	vst.add.f32.msk $0xffff, v9;
	s20 =	sshra.s32 s28, $0x2;
	s28 =	sadd.s32 $0x200, s28  }
0xc0: {  	v3 =	vld [tilespmem:s20+$0x12D70]  }
0xc1: {  	v4 =	vld [tilespmem:s20+$0x12D00]  }
0xc2: {  	v5 =	vld [tilespmem:s20+$0x12D10]  }
0xc3: {  	v6 =	vld [tilespmem:s20+$0x12D20]  }
0xc4: {  	v7 =	vld [tilespmem:s20+$0x12D30]  }
0xc5: {  	v8 =	vld [tilespmem:s20+$0x12D50]  }
0xc6: {  	v9 =	vld [tilespmem:s20+$0x12D60]  }
0xc7: {  	[tilespmem:s20+$0x6570] =	vst.add.f32.msk $0xffff, v3  }
0xc8: {  	v3 =	vld [tilespmem:s20+$0x12D40]  }
0xc9: {  	[tilespmem:s20+$0x6500] =	vst.add.f32.msk $0xffff, v4  }
0xca: {  	[tilespmem:s20+$0x6510] =	vst.add.f32.msk $0xffff, v5  }
0xcb: {  	s21 =	smul.u32 $0x190, s7;
	[tilespmem:s20+$0x6520] =	vst.add.f32.msk $0xffff, v6  }
0xcc: {  	[tilespmem:s20+$0x6530] =	vst.add.f32.msk $0xffff, v7  }
0xcd: {  	s21 =	sadd.s32 s5, s21;
	[tilespmem:s20+$0x6550] =	vst.add.f32.msk $0xffff, v8  }
0xce: {  	s24 =	simm.s32 $0x0;
	s28 =	sshll.u32 s21, $0x4;
	[tilespmem:s20+$0x6560] =	vst.add.f32.msk $0xffff, v9  }
0xcf: {  	s21 =	simm.s32 $0x200;
	s22 =	sadd.s32 s3, s28;
	[tilespmem:s20+$0x6540] =	vst.add.f32.msk $0xffff, v3;
	s20 =	simm.s32 $0x0  }
0xd0: {  	[hbm4b:s22+s24] =	stream.linear.scatter [tilespmem:s16], [sflag:$0x3], $0x1C00, $0x38;
	[tilespmem:$0x1F500] =	vst v63  }
.LBB2_8:
0xd1: {  	p0 =	sne.s32 s21, $0x5E00;
	v3 =	vld [tilespmem:s20+$0x14970]  }
0xd2: {  	v4 =	vld [tilespmem:s20+$0x14900]  }
0xd3: {  	v5 =	vld [tilespmem:s20+$0x14910]  }
0xd4: {  	v6 =	vld [tilespmem:s20+$0x14920]  }
0xd5: {  	v7 =	vld [tilespmem:s20+$0x14930]  }
0xd6: {  	[tilespmem:s20+$0x8170] =	vst.add.f32.msk $0xffff, v3  }
0xd7: {  	v3 =	vld [tilespmem:s20+$0x14940]  }
0xd8: {  	v8 =	vld [tilespmem:s20+$0x14950]  }
0xd9: {  	v9 =	vld [tilespmem:s20+$0x14960]  }
0xda: {  	[tilespmem:s20+$0x8100] =	vst.add.f32.msk $0xffff, v4  }
0xdb: {  	[tilespmem:s20+$0x8110] =	vst.add.f32.msk $0xffff, v5  }
.Ltmp11:
0xdc: {  	[tilespmem:s20+$0x8120] =	vst.add.f32.msk $0xffff, v6;
	(pc) =	sbr.rel @p0 .LBB2_8-.Ltmp11, $4  }
0xdd: {  	[tilespmem:s20+$0x8130] =	vst.add.f32.msk $0xffff, v7  }
0xde: {  	[tilespmem:s20+$0x8140] =	vst.add.f32.msk $0xffff, v3  }
0xdf: {  	[tilespmem:s20+$0x8150] =	vst.add.f32.msk $0xffff, v8  }
0xe0: {  	[tilespmem:s20+$0x8160] =	vst.add.f32.msk $0xffff, v9;
	s20 =	sshra.s32 s21, $0x2;
	s21 =	sadd.s32 $0x200, s21  }
0xe1: {  	v3 =	vld [tilespmem:s20+$0x14970]  }
0xe2: {  	v4 =	vld [tilespmem:s20+$0x14900]  }
0xe3: {  	v5 =	vld [tilespmem:s20+$0x14910]  }
0xe4: {  	v6 =	vld [tilespmem:s20+$0x14920]  }
0xe5: {  	v7 =	vld [tilespmem:s20+$0x14930]  }
0xe6: {  	v8 =	vld [tilespmem:s20+$0x14950]  }
0xe7: {  	v9 =	vld [tilespmem:s20+$0x14960]  }
0xe8: {  	[tilespmem:s20+$0x8170] =	vst.add.f32.msk $0xffff, v3  }
0xe9: {  	v3 =	vld [tilespmem:s20+$0x14940]  }
0xea: {  	[tilespmem:s20+$0x8100] =	vst.add.f32.msk $0xffff, v4  }
0xeb: {  	[tilespmem:s20+$0x8110] =	vst.add.f32.msk $0xffff, v5  }
0xec: {  	[tilespmem:s20+$0x8120] =	vst.add.f32.msk $0xffff, v6  }
0xed: {  	[tilespmem:s20+$0x8130] =	vst.add.f32.msk $0xffff, v7  }
0xee: {  	[tilespmem:s20+$0x8150] =	vst.add.f32.msk $0xffff, v8  }
0xef: {  	[tilespmem:s20+$0x8160] =	vst.add.f32.msk $0xffff, v9  }
0xf0: {  	s24 =	sadd.s32 s28, s8;
	s21 =	simm.s32 $0x0;
	s22 =	simm.s32 $0x8100;
	[tilespmem:s20+$0x8140] =	vst.add.f32.msk $0xffff, v3  }
0xf1: {  	[hbm4b:s24+s21] =	stream.linear.scatter [tilespmem:s22], [sflag:$0x3], $0x1800, $0x38;
	[tilespmem:$0x1F500] =	vst v63  }
0xf2: {  	s20 =	simm.s32 $0x0;
	s21 =	simm.s32 $0x200  }
.LBB2_10:
0xf3: {  	p0 =	sne.s32 s21, $0x5E00;
	v3 =	vld [tilespmem:s20+$0x16170]  }
0xf4: {  	v4 =	vld [tilespmem:s20+$0x16100]  }
0xf5: {  	v5 =	vld [tilespmem:s20+$0x16110]  }
0xf6: {  	v6 =	vld [tilespmem:s20+$0x16120]  }
0xf7: {  	v7 =	vld [tilespmem:s20+$0x16130]  }
0xf8: {  	[tilespmem:s20+$0x9970] =	vst.add.f32.msk $0xffff, v3  }
0xf9: {  	v3 =	vld [tilespmem:s20+$0x16140]  }
0xfa: {  	v8 =	vld [tilespmem:s20+$0x16150]  }
0xfb: {  	v9 =	vld [tilespmem:s20+$0x16160]  }
0xfc: {  	[tilespmem:s20+$0x9900] =	vst.add.f32.msk $0xffff, v4  }
0xfd: {  	[tilespmem:s20+$0x9910] =	vst.add.f32.msk $0xffff, v5  }
.Ltmp12:
0xfe: {  	[tilespmem:s20+$0x9920] =	vst.add.f32.msk $0xffff, v6;
	(pc) =	sbr.rel @p0 .LBB2_10-.Ltmp12, $4  }
0xff: {  	[tilespmem:s20+$0x9930] =	vst.add.f32.msk $0xffff, v7  }
0x100: {  	[tilespmem:s20+$0x9940] =	vst.add.f32.msk $0xffff, v3  }
0x101: {  	[tilespmem:s20+$0x9950] =	vst.add.f32.msk $0xffff, v8  }
0x102: {  	[tilespmem:s20+$0x9960] =	vst.add.f32.msk $0xffff, v9;
	s20 =	sshra.s32 s21, $0x2;
	s21 =	sadd.s32 $0x200, s21  }
0x103: {  	v3 =	vld [tilespmem:s20+$0x16170]  }
0x104: {  	v4 =	vld [tilespmem:s20+$0x16100]  }
0x105: {  	v5 =	vld [tilespmem:s20+$0x16110]  }
0x106: {  	v6 =	vld [tilespmem:s20+$0x16120]  }
0x107: {  	v7 =	vld [tilespmem:s20+$0x16130]  }
0x108: {  	v8 =	vld [tilespmem:s20+$0x16150]  }
0x109: {  	v9 =	vld [tilespmem:s20+$0x16160]  }
0x10a: {  	[tilespmem:s20+$0x9970] =	vst.add.f32.msk $0xffff, v3  }
0x10b: {  	v3 =	vld [tilespmem:s20+$0x16140]  }
0x10c: {  	[tilespmem:s20+$0x9900] =	vst.add.f32.msk $0xffff, v4  }
0x10d: {  	[tilespmem:s20+$0x9910] =	vst.add.f32.msk $0xffff, v5  }
0x10e: {  	[tilespmem:s20+$0x9920] =	vst.add.f32.msk $0xffff, v6  }
0x10f: {  	[tilespmem:s20+$0x9930] =	vst.add.f32.msk $0xffff, v7  }
0x110: {  	[tilespmem:s20+$0x9950] =	vst.add.f32.msk $0xffff, v8  }
0x111: {  	[tilespmem:s20+$0x9960] =	vst.add.f32.msk $0xffff, v9  }
0x112: {  	s24 =	sadd.s32 s28, s9;
	s21 =	simm.s32 $0x0;
	s22 =	simm.s32 $0x9900;
	[tilespmem:s20+$0x9940] =	vst.add.f32.msk $0xffff, v3  }
0x113: {  	[hbm4b:s24+s21] =	stream.linear.scatter [tilespmem:s22], [sflag:$0x3], $0x1800, $0x38;
	[tilespmem:$0x1F500] =	vst v63  }
0x114: {  	s20 =	simm.s32 $0x0;
	s21 =	simm.s32 $0x200  }
.LBB2_12:
0x115: {  	p0 =	sne.s32 s21, $0x5E00;
	v3 =	vld [tilespmem:s20+$0x17970]  }
0x116: {  	v4 =	vld [tilespmem:s20+$0x17900]  }
0x117: {  	v5 =	vld [tilespmem:s20+$0x17910]  }
0x118: {  	v6 =	vld [tilespmem:s20+$0x17920]  }
0x119: {  	v7 =	vld [tilespmem:s20+$0x17930]  }
0x11a: {  	[tilespmem:s20+$0xB170] =	vst.add.f32.msk $0xffff, v3  }
0x11b: {  	v3 =	vld [tilespmem:s20+$0x17940]  }
0x11c: {  	v8 =	vld [tilespmem:s20+$0x17950]  }
0x11d: {  	v9 =	vld [tilespmem:s20+$0x17960]  }
0x11e: {  	[tilespmem:s20+$0xB100] =	vst.add.f32.msk $0xffff, v4  }
0x11f: {  	[tilespmem:s20+$0xB110] =	vst.add.f32.msk $0xffff, v5  }
.Ltmp13:
0x120: {  	[tilespmem:s20+$0xB120] =	vst.add.f32.msk $0xffff, v6;
	(pc) =	sbr.rel @p0 .LBB2_12-.Ltmp13, $4  }
0x121: {  	[tilespmem:s20+$0xB130] =	vst.add.f32.msk $0xffff, v7  }
0x122: {  	[tilespmem:s20+$0xB140] =	vst.add.f32.msk $0xffff, v3  }
0x123: {  	[tilespmem:s20+$0xB150] =	vst.add.f32.msk $0xffff, v8  }
0x124: {  	[tilespmem:s20+$0xB160] =	vst.add.f32.msk $0xffff, v9;
	s20 =	sshra.s32 s21, $0x2;
	s21 =	sadd.s32 $0x200, s21  }
0x125: {  	v3 =	vld [tilespmem:s20+$0x17970]  }
0x126: {  	v4 =	vld [tilespmem:s20+$0x17900]  }
0x127: {  	v5 =	vld [tilespmem:s20+$0x17910]  }
0x128: {  	v6 =	vld [tilespmem:s20+$0x17920]  }
0x129: {  	v7 =	vld [tilespmem:s20+$0x17930]  }
0x12a: {  	v8 =	vld [tilespmem:s20+$0x17950]  }
0x12b: {  	v9 =	vld [tilespmem:s20+$0x17960]  }
0x12c: {  	[tilespmem:s20+$0xB170] =	vst.add.f32.msk $0xffff, v3  }
0x12d: {  	v3 =	vld [tilespmem:s20+$0x17940]  }
0x12e: {  	[tilespmem:s20+$0xB100] =	vst.add.f32.msk $0xffff, v4  }
0x12f: {  	[tilespmem:s20+$0xB110] =	vst.add.f32.msk $0xffff, v5  }
0x130: {  	[tilespmem:s20+$0xB120] =	vst.add.f32.msk $0xffff, v6  }
0x131: {  	[tilespmem:s20+$0xB130] =	vst.add.f32.msk $0xffff, v7  }
0x132: {  	[tilespmem:s20+$0xB150] =	vst.add.f32.msk $0xffff, v8  }
0x133: {  	[tilespmem:s20+$0xB160] =	vst.add.f32.msk $0xffff, v9  }
0x134: {  	s28 =	sadd.s32 s28, s10;
	s21 =	simm.s32 $0xB100;
	[tilespmem:s20+$0xB140] =	vst.add.f32.msk $0xffff, v3  }
0x135: {  	[hbm4b:s28+s4] =	stream.linear.scatter [tilespmem:s21], [sflag:$0x3], $0x1800, $0x38;
	[tilespmem:$0x1F500] =	vst v63  }
.LBB2_20:
0x136: {  	s20 =	sshll.u32 s7, $0x1  }
0x137: {  	s20 =	sadd.s32 $0x2, s20  }
0x138: {  	s21 =	smin.u32 s20, $0x7F  }
0x139: {  	s21 =	smul.u32 $0x320, s21;
	_ =	sdelay $0x1  }
0x13a: {  	s21 =	sshrl.u32 s21, $0x2  }
0x13b: {  	v3 =	vld [tilespmem:s21+$0x0]  }
0x13c: {  	v4 =	vld [tilespmem:s21+$0x10]  }
0x13d: {  	v5 =	vld [tilespmem:s21+$0x20]  }
0x13e: {  	v6 =	vld [tilespmem:s21+$0x30]  }
0x13f: {  	v7 =	vld [tilespmem:s21+$0x40]  }
0x140: {  	v8 =	vld [tilespmem:s21+$0x50]  }
0x141: {  	vm0 =	veq.s32 v3, $0x0;
	vm1 =	veq.s32 v4, $0x0;
	v3 =	vld [tilespmem:s21+$0x60]  }
0x142: {  	v59 =	vld [tilespmem:s21+$0x70];
	vm5 =	veq.s32 v5, $0x0;
	vm0 =	vmor vm0, vm1  }
0x143: {  	v60 =	vld [tilespmem:s21+$0x80];
	vm6 =	veq.s32 v6, $0x0;
	vm0 =	vmor vm0, vm5  }
0x144: {  	v61 =	vld [tilespmem:s21+$0x90];
	vm7 =	veq.s32 v7, $0x0;
	vm0 =	vmor vm0, vm6  }
0x145: {  	v62 =	vld [tilespmem:s21+$0xA0];
	vm8 =	veq.s32 v8, $0x0;
	vm0 =	vmor vm0, vm7  }
0x146: {  	vm0 =	vmor vm0, vm8;
	vm9 =	veq.s32 v3, $0x0;
	v3 =	vld [tilespmem:s21+$0xB0]  }
0x147: {  	v63 =	vld [tilespmem:s21+$0xB8];
	vm10 =	veq.s32 v59, $0x0;
	vm0 =	vmor vm0, vm9  }
0x148: {  	vm11 =	veq.s32 v60, $0x0;
	vm0 =	vmor vm0, vm10  }
0x149: {  	vm12 =	veq.s32 v61, $0x0;
	vm0 =	vmor vm0, vm11  }
0x14a: {  	vm13 =	veq.s32 v62, $0x0;
	vm0 =	vmor vm0, vm12  }
0x14b: {  	vm0 =	vmor vm0, vm13;
	vm14 =	veq.s32 v3, $0x0  }
0x14c: {  	vm15 =	veq.s32 v63, $0x0;
	vm0 =	vmor vm0, vm14  }
0x14d: {  	vm0 =	vmor vm0, vm15  }
0x14e: {  	v3 =	vmpcnt.ones.xlane vm0;
	_ =	sdelay $0x1  }
0x14f: {  	(v2sf) =	vpush v3, $0x0;
	_ =	sdelay $0xd  }
0x150: {  	p0 =	seq.s32 s7, $0x3F  }
0x151: {  	s21 =	simm.s32 @!p0 $0x3;
	s28 =	spop (v2sf)  }
0x152: {  	s20 =	smul.u32 @!p0 $0x320, s20;
	_ =	swait.ge @!p0 [sflag:s21], $0x6400  }
0x153: {  	s22 =	simm.s32 @!p0 $0x6500;
	[sflag:s21] =	ssyncset.done @!p0 $0x0  }
0x154: {  	s20 =	sshra.s32 @!p0 s20, $0x2;
	[sflag:s21] =	ssyncadd.s32 @!p0 $0xFFFF9C00;
	s21 =	simm.s32 @!p0 $0xC8  }
0x155: {  	[tilespmem:s22], [sflag:$0x1] =	stream.indirect.gather @!p0 [hbm4b:s2+s21], $0x80, s20, s21, $0xb8;
	[tilespmem:$0x1F500] =	vst v63  }
0x156: {  	p0 =	sne.s32 s29, $0x0  }
.Ltmp14:
0x157: {  	_ = 	snop;
	(pc) =	sbr.rel @!p0 .LBB2_21-.Ltmp14, $4  }
0x158: {  	_ = 	snop  }
0x159: {  	_ =	swait.ge [sflag:s23], $0x6400  }
0x15a: {  	[sflag:s23] =	ssyncset.done $0x0  }
0x15b: {  	[sflag:s23] =	ssyncadd.s32 $0xFFFF9C00  }
0x15c: {  	p0 =	slt.s32 s29, $0x1  }
.Ltmp15:
0x15d: {  	_ = 	snop;
	(pc) =	sbr.rel @p0 .LBB2_36-.Ltmp15, $1  }
0x15e: {  	_ =	sdelay $0x3  }
0x15f: {  	v3 =	vld [tilespmem:s1+$0x0]  }
0x160: {  	s20 =	simm.s32 $0x0  }
0x161: {  	v4 =	vadd.s32 s20, v0  }
0x162: {  	v5 =	vadd.s32 s20, v1;
	vm0 =	vgt.u32 v4, $0xC7  }
0x163: {  	v4 =	vsel vm0, v5, v4  }
0x164: {  	v4 =	vadd.s32 $0x1, v4;
	vm15 =	veq.s32 v3, $0x0  }
0x165: {  	s20 =	simm.s32 $0x6400;
	v3 =	vsel vm15, $0x0, v4  }
0x166: {  	s22 =	sadd.s32 $0x10, s1;
	[tilespmem:s20+$0x0] =	vst v3  }
0x167: {  	s21 =	simm.s32 $0x10;
	s24 =	simm.s32 $0x20;
	v3 =	vld [tilespmem:s22+$0x0]  }
.LBB2_32:
0x168: {  	p0 =	sne.s32 s24, $0xB0  }
0x169: {  	v4 =	vadd.s32 s21, v0  }
0x16a: {  	v5 =	vadd.s32 s21, v1;
	s21 =	smov.u32 s24;
	vm0 =	vgt.u32 v4, $0xC7  }
.Ltmp16:
0x16b: {  	v4 =	vsel vm0, v5, v4;
	(pc) =	sbr.rel @p0 .LBB2_32-.Ltmp16, $4  }
0x16c: {  	v4 =	vadd.s32 $0x1, v4;
	vm0 =	veq.s32 v3, $0x0  }
0x16d: {  	s20 =	sadd.s32 $0x10, s20;
	v3 =	vsel vm0, $0x0, v4  }
0x16e: {  	s22 =	sadd.s32 $0x10, s22;
	[tilespmem:s20+$0x0] =	vst v3  }
0x16f: {  	s24 =	sadd.s32 $0x10, s24;
	v3 =	vld [tilespmem:s22+$0x0]  }
0x170: {  	_ = 	snop  }
0x171: {  	v4 =	vadd.s32 s21, v0  }
0x172: {  	v5 =	vadd.s32 s21, v1;
	vm0 =	vgt.u32 v4, $0xC7  }
0x173: {  	v4 =	vsel vm0, v5, v4  }
0x174: {  	v4 =	vadd.s32 $0x1, v4;
	vm14 =	veq.s32 v3, $0x0  }
0x175: {  	s20 =	sadd.s32 $0x10, s20;
	v3 =	vsel vm14, $0x0, v4  }
0x176: {  	[tilespmem:s20+$0x0] =	vst v3  }
0x177: {  	v3 =	vld [tilespmem:s12+$0xB8];
	_ =	sdelay $0x4  }
0x178: {  	vm15 =	veq.s32 v3, $0x0  }
0x179: {  	v3 =	vsel vm15, $0x0, v2  }
0x17a: {  	[tilespmem:$0x64B8] =	vst v3  }
0x17b: {  	[tilespmem:s30], [sflag:$0x5] =	stream.indirect.gather [hbm4b:s6+s17], $0x80, s13, s17, $0xb8;
	[tilespmem:$0x1F500] =	vst v63  }
0x17c: {  	_ =	swait.ge [sflag:s15], $0x6400  }
0x17d: {  	[sflag:s15] =	ssyncset.done $0x0  }
0x17e: {  	s20 =	simm.s32 $0x200;
	s12 =	simm.s32 $0x0;
	[sflag:s15] =	ssyncadd.s32 $0xFFFF9C00  }
.LBB2_34:
0x17f: {  	p0 =	sne.s32 s20, $0x18E00;
	v3 =	vld [tilespmem:s12+$0x19170]  }
0x180: {  	v4 =	vld [tilespmem:s12+$0x19100]  }
0x181: {  	v5 =	vld [tilespmem:s12+$0x19110]  }
0x182: {  	v6 =	vld [tilespmem:s12+$0x19120]  }
0x183: {  	v7 =	vld [tilespmem:s12+$0x19130]  }
0x184: {  	[tilespmem:s12+$0xC970] =	vst.add.f32.msk $0xffff, v3  }
0x185: {  	v3 =	vld [tilespmem:s12+$0x19140]  }
0x186: {  	v8 =	vld [tilespmem:s12+$0x19150]  }
0x187: {  	v9 =	vld [tilespmem:s12+$0x19160]  }
0x188: {  	[tilespmem:s12+$0xC900] =	vst.add.f32.msk $0xffff, v4  }
0x189: {  	[tilespmem:s12+$0xC910] =	vst.add.f32.msk $0xffff, v5  }
.Ltmp17:
0x18a: {  	[tilespmem:s12+$0xC920] =	vst.add.f32.msk $0xffff, v6;
	(pc) =	sbr.rel @p0 .LBB2_34-.Ltmp17, $4  }
0x18b: {  	[tilespmem:s12+$0xC930] =	vst.add.f32.msk $0xffff, v7  }
0x18c: {  	[tilespmem:s12+$0xC940] =	vst.add.f32.msk $0xffff, v3  }
0x18d: {  	[tilespmem:s12+$0xC950] =	vst.add.f32.msk $0xffff, v8  }
0x18e: {  	[tilespmem:s12+$0xC960] =	vst.add.f32.msk $0xffff, v9;
	s12 =	sshra.s32 s20, $0x2;
	s20 =	sadd.s32 $0x200, s20  }
0x18f: {  	v3 =	vld [tilespmem:s12+$0x19170]  }
0x190: {  	v4 =	vld [tilespmem:s12+$0x19100]  }
0x191: {  	v5 =	vld [tilespmem:s12+$0x19110]  }
0x192: {  	v6 =	vld [tilespmem:s12+$0x19120]  }
0x193: {  	v7 =	vld [tilespmem:s12+$0x19130]  }
0x194: {  	v8 =	vld [tilespmem:s12+$0x19150]  }
0x195: {  	v9 =	vld [tilespmem:s12+$0x19160]  }
0x196: {  	[tilespmem:s12+$0xC970] =	vst.add.f32.msk $0xffff, v3  }
0x197: {  	v3 =	vld [tilespmem:s12+$0x19140]  }
0x198: {  	[tilespmem:s12+$0xC900] =	vst.add.f32.msk $0xffff, v4  }
0x199: {  	[tilespmem:s12+$0xC910] =	vst.add.f32.msk $0xffff, v5  }
0x19a: {  	s11 =	smul.u32 $0xC8, s11;
	[tilespmem:s12+$0xC920] =	vst.add.f32.msk $0xffff, v6  }
.Ltmp18:
0x19b: {  	[tilespmem:s12+$0xC930] =	vst.add.f32.msk $0xffff, v7;
	(pc) =	sbr.rel .LBB2_36-.Ltmp18, $4  }
0x19c: {  	s11 =	sadd.s32 s5, s11;
	[tilespmem:s12+$0xC950] =	vst.add.f32.msk $0xffff, v8  }
0x19d: {  	s11 =	sshll.u32 s11, $0x4;
	[tilespmem:s12+$0xC960] =	vst.add.f32.msk $0xffff, v9  }
0x19e: {  	s11 =	sadd.s32 s3, s11;
	[tilespmem:s12+$0xC940] =	vst.add.f32.msk $0xffff, v3  }
0x19f: {  	[hbm4b:s11+s4] =	stream.linear.scatter [tilespmem:s18], [sflag:$0x4], $0x6400, $0x38;
	[tilespmem:$0x1F500] =	vst v63  }
.LBB2_21:
0x1a0: {  	s12 =	simm.s32 $0x0;
	s20 =	simm.s32 $0x200  }
.LBB2_22:
0x1a1: {  	p0 =	sne.s32 s20, $0x6E00;
	v3 =	vld [tilespmem:s12+$0x12D70]  }
0x1a2: {  	v4 =	vld [tilespmem:s12+$0x12D00]  }
0x1a3: {  	v5 =	vld [tilespmem:s12+$0x12D10]  }
0x1a4: {  	v6 =	vld [tilespmem:s12+$0x12D20]  }
0x1a5: {  	v7 =	vld [tilespmem:s12+$0x12D30]  }
0x1a6: {  	[tilespmem:s12+$0xC970] =	vst.add.f32.msk $0xffff, v3  }
0x1a7: {  	v3 =	vld [tilespmem:s12+$0x12D40]  }
0x1a8: {  	v8 =	vld [tilespmem:s12+$0x12D50]  }
0x1a9: {  	v9 =	vld [tilespmem:s12+$0x12D60]  }
0x1aa: {  	[tilespmem:s12+$0xC900] =	vst.add.f32.msk $0xffff, v4  }
0x1ab: {  	[tilespmem:s12+$0xC910] =	vst.add.f32.msk $0xffff, v5  }
.Ltmp19:
0x1ac: {  	[tilespmem:s12+$0xC920] =	vst.add.f32.msk $0xffff, v6;
	(pc) =	sbr.rel @p0 .LBB2_22-.Ltmp19, $4  }
0x1ad: {  	[tilespmem:s12+$0xC930] =	vst.add.f32.msk $0xffff, v7  }
0x1ae: {  	[tilespmem:s12+$0xC940] =	vst.add.f32.msk $0xffff, v3  }
0x1af: {  	[tilespmem:s12+$0xC950] =	vst.add.f32.msk $0xffff, v8  }
0x1b0: {  	[tilespmem:s12+$0xC960] =	vst.add.f32.msk $0xffff, v9;
	s12 =	sshra.s32 s20, $0x2;
	s20 =	sadd.s32 $0x200, s20  }
0x1b1: {  	v3 =	vld [tilespmem:s12+$0x12D70]  }
0x1b2: {  	v4 =	vld [tilespmem:s12+$0x12D00]  }
0x1b3: {  	v5 =	vld [tilespmem:s12+$0x12D10]  }
0x1b4: {  	v6 =	vld [tilespmem:s12+$0x12D20]  }
0x1b5: {  	v7 =	vld [tilespmem:s12+$0x12D30]  }
0x1b6: {  	v8 =	vld [tilespmem:s12+$0x12D50]  }
0x1b7: {  	v9 =	vld [tilespmem:s12+$0x12D60]  }
0x1b8: {  	[tilespmem:s12+$0xC970] =	vst.add.f32.msk $0xffff, v3  }
0x1b9: {  	v3 =	vld [tilespmem:s12+$0x12D40]  }
0x1ba: {  	[tilespmem:s12+$0xC900] =	vst.add.f32.msk $0xffff, v4  }
0x1bb: {  	[tilespmem:s12+$0xC910] =	vst.add.f32.msk $0xffff, v5  }
0x1bc: {  	s11 =	smul.u32 $0xC8, s11;
	[tilespmem:s12+$0xC920] =	vst.add.f32.msk $0xffff, v6  }
0x1bd: {  	[tilespmem:s12+$0xC930] =	vst.add.f32.msk $0xffff, v7  }
0x1be: {  	s11 =	sadd.s32 s5, s11;
	[tilespmem:s12+$0xC950] =	vst.add.f32.msk $0xffff, v8  }
0x1bf: {  	s11 =	sshll.u32 s11, $0x4;
	[tilespmem:s12+$0xC960] =	vst.add.f32.msk $0xffff, v9  }
0x1c0: {  	s20 =	simm.s32 $0x0;
	s29 =	sadd.s32 s3, s11;
	[tilespmem:s12+$0xC940] =	vst.add.f32.msk $0xffff, v3  }
0x1c1: {  	[hbm4b:s29+s20] =	stream.linear.scatter [tilespmem:s18], [sflag:$0x4], $0x1C00, $0x38;
	[tilespmem:$0x1F500] =	vst v63  }
0x1c2: {  	s12 =	simm.s32 $0x0;
	s20 =	simm.s32 $0x200  }
.LBB2_24:
0x1c3: {  	p0 =	sne.s32 s20, $0x5E00;
	v3 =	vld [tilespmem:s12+$0x14970]  }
0x1c4: {  	v4 =	vld [tilespmem:s12+$0x14900]  }
0x1c5: {  	v5 =	vld [tilespmem:s12+$0x14910]  }
0x1c6: {  	v6 =	vld [tilespmem:s12+$0x14920]  }
0x1c7: {  	v7 =	vld [tilespmem:s12+$0x14930]  }
0x1c8: {  	[tilespmem:s12+$0xE570] =	vst.add.f32.msk $0xffff, v3  }
0x1c9: {  	v3 =	vld [tilespmem:s12+$0x14940]  }
0x1ca: {  	v8 =	vld [tilespmem:s12+$0x14950]  }
0x1cb: {  	v9 =	vld [tilespmem:s12+$0x14960]  }
0x1cc: {  	[tilespmem:s12+$0xE500] =	vst.add.f32.msk $0xffff, v4  }
0x1cd: {  	[tilespmem:s12+$0xE510] =	vst.add.f32.msk $0xffff, v5  }
.Ltmp20:
0x1ce: {  	[tilespmem:s12+$0xE520] =	vst.add.f32.msk $0xffff, v6;
	(pc) =	sbr.rel @p0 .LBB2_24-.Ltmp20, $4  }
0x1cf: {  	[tilespmem:s12+$0xE530] =	vst.add.f32.msk $0xffff, v7  }
0x1d0: {  	[tilespmem:s12+$0xE540] =	vst.add.f32.msk $0xffff, v3  }
0x1d1: {  	[tilespmem:s12+$0xE550] =	vst.add.f32.msk $0xffff, v8  }
0x1d2: {  	[tilespmem:s12+$0xE560] =	vst.add.f32.msk $0xffff, v9;
	s12 =	sshra.s32 s20, $0x2;
	s20 =	sadd.s32 $0x200, s20  }
0x1d3: {  	v3 =	vld [tilespmem:s12+$0x14970]  }
0x1d4: {  	v4 =	vld [tilespmem:s12+$0x14900]  }
0x1d5: {  	v5 =	vld [tilespmem:s12+$0x14910]  }
0x1d6: {  	v6 =	vld [tilespmem:s12+$0x14920]  }
0x1d7: {  	v7 =	vld [tilespmem:s12+$0x14930]  }
0x1d8: {  	v8 =	vld [tilespmem:s12+$0x14950]  }
0x1d9: {  	v9 =	vld [tilespmem:s12+$0x14960]  }
0x1da: {  	[tilespmem:s12+$0xE570] =	vst.add.f32.msk $0xffff, v3  }
0x1db: {  	v3 =	vld [tilespmem:s12+$0x14940]  }
0x1dc: {  	[tilespmem:s12+$0xE500] =	vst.add.f32.msk $0xffff, v4  }
0x1dd: {  	[tilespmem:s12+$0xE510] =	vst.add.f32.msk $0xffff, v5  }
0x1de: {  	[tilespmem:s12+$0xE520] =	vst.add.f32.msk $0xffff, v6  }
0x1df: {  	[tilespmem:s12+$0xE530] =	vst.add.f32.msk $0xffff, v7  }
0x1e0: {  	[tilespmem:s12+$0xE550] =	vst.add.f32.msk $0xffff, v8  }
0x1e1: {  	[tilespmem:s12+$0xE560] =	vst.add.f32.msk $0xffff, v9  }
0x1e2: {  	s29 =	sadd.s32 s11, s8;
	s20 =	simm.s32 $0x0;
	s21 =	simm.s32 $0xE500;
	[tilespmem:s12+$0xE540] =	vst.add.f32.msk $0xffff, v3  }
0x1e3: {  	[hbm4b:s29+s20] =	stream.linear.scatter [tilespmem:s21], [sflag:$0x4], $0x1800, $0x38;
	[tilespmem:$0x1F500] =	vst v63  }
0x1e4: {  	s12 =	simm.s32 $0x0;
	s20 =	simm.s32 $0x200  }
.LBB2_26:
0x1e5: {  	p0 =	sne.s32 s20, $0x5E00;
	v3 =	vld [tilespmem:s12+$0x16170]  }
0x1e6: {  	v4 =	vld [tilespmem:s12+$0x16100]  }
0x1e7: {  	v5 =	vld [tilespmem:s12+$0x16110]  }
0x1e8: {  	v6 =	vld [tilespmem:s12+$0x16120]  }
0x1e9: {  	v7 =	vld [tilespmem:s12+$0x16130]  }
0x1ea: {  	[tilespmem:s12+$0xFD70] =	vst.add.f32.msk $0xffff, v3  }
0x1eb: {  	v3 =	vld [tilespmem:s12+$0x16140]  }
0x1ec: {  	v8 =	vld [tilespmem:s12+$0x16150]  }
0x1ed: {  	v9 =	vld [tilespmem:s12+$0x16160]  }
0x1ee: {  	[tilespmem:s12+$0xFD00] =	vst.add.f32.msk $0xffff, v4  }
0x1ef: {  	[tilespmem:s12+$0xFD10] =	vst.add.f32.msk $0xffff, v5  }
.Ltmp21:
0x1f0: {  	[tilespmem:s12+$0xFD20] =	vst.add.f32.msk $0xffff, v6;
	(pc) =	sbr.rel @p0 .LBB2_26-.Ltmp21, $4  }
0x1f1: {  	[tilespmem:s12+$0xFD30] =	vst.add.f32.msk $0xffff, v7  }
0x1f2: {  	[tilespmem:s12+$0xFD40] =	vst.add.f32.msk $0xffff, v3  }
0x1f3: {  	[tilespmem:s12+$0xFD50] =	vst.add.f32.msk $0xffff, v8  }
0x1f4: {  	[tilespmem:s12+$0xFD60] =	vst.add.f32.msk $0xffff, v9;
	s12 =	sshra.s32 s20, $0x2;
	s20 =	sadd.s32 $0x200, s20  }
0x1f5: {  	v3 =	vld [tilespmem:s12+$0x16170]  }
0x1f6: {  	v4 =	vld [tilespmem:s12+$0x16100]  }
0x1f7: {  	v5 =	vld [tilespmem:s12+$0x16110]  }
0x1f8: {  	v6 =	vld [tilespmem:s12+$0x16120]  }
0x1f9: {  	v7 =	vld [tilespmem:s12+$0x16130]  }
0x1fa: {  	v8 =	vld [tilespmem:s12+$0x16150]  }
0x1fb: {  	v9 =	vld [tilespmem:s12+$0x16160]  }
0x1fc: {  	[tilespmem:s12+$0xFD70] =	vst.add.f32.msk $0xffff, v3  }
0x1fd: {  	v3 =	vld [tilespmem:s12+$0x16140]  }
0x1fe: {  	[tilespmem:s12+$0xFD00] =	vst.add.f32.msk $0xffff, v4  }
0x1ff: {  	[tilespmem:s12+$0xFD10] =	vst.add.f32.msk $0xffff, v5  }
0x200: {  	[tilespmem:s12+$0xFD20] =	vst.add.f32.msk $0xffff, v6  }
0x201: {  	[tilespmem:s12+$0xFD30] =	vst.add.f32.msk $0xffff, v7  }
0x202: {  	[tilespmem:s12+$0xFD50] =	vst.add.f32.msk $0xffff, v8  }
0x203: {  	[tilespmem:s12+$0xFD60] =	vst.add.f32.msk $0xffff, v9  }
0x204: {  	s29 =	sadd.s32 s11, s9;
	s20 =	simm.s32 $0x0;
	[tilespmem:s12+$0xFD40] =	vst.add.f32.msk $0xffff, v3  }
0x205: {  	[hbm4b:s29+s20] =	stream.linear.scatter [tilespmem:s25], [sflag:$0x4], $0x1800, $0x38;
	[tilespmem:$0x1F500] =	vst v63  }
0x206: {  	s12 =	simm.s32 $0x0;
	s20 =	simm.s32 $0x200  }
.LBB2_28:
0x207: {  	p0 =	sne.s32 s20, $0x5E00;
	v3 =	vld [tilespmem:s12+$0x17970]  }
0x208: {  	v4 =	vld [tilespmem:s12+$0x17900]  }
0x209: {  	v5 =	vld [tilespmem:s12+$0x17910]  }
0x20a: {  	v6 =	vld [tilespmem:s12+$0x17920]  }
0x20b: {  	v7 =	vld [tilespmem:s12+$0x17930]  }
0x20c: {  	[tilespmem:s12+$0x11570] =	vst.add.f32.msk $0xffff, v3  }
0x20d: {  	v3 =	vld [tilespmem:s12+$0x17940]  }
0x20e: {  	v8 =	vld [tilespmem:s12+$0x17950]  }
0x20f: {  	v9 =	vld [tilespmem:s12+$0x17960]  }
0x210: {  	[tilespmem:s12+$0x11500] =	vst.add.f32.msk $0xffff, v4  }
0x211: {  	[tilespmem:s12+$0x11510] =	vst.add.f32.msk $0xffff, v5  }
.Ltmp22:
0x212: {  	[tilespmem:s12+$0x11520] =	vst.add.f32.msk $0xffff, v6;
	(pc) =	sbr.rel @p0 .LBB2_28-.Ltmp22, $4  }
0x213: {  	[tilespmem:s12+$0x11530] =	vst.add.f32.msk $0xffff, v7  }
0x214: {  	[tilespmem:s12+$0x11540] =	vst.add.f32.msk $0xffff, v3  }
0x215: {  	[tilespmem:s12+$0x11550] =	vst.add.f32.msk $0xffff, v8  }
0x216: {  	[tilespmem:s12+$0x11560] =	vst.add.f32.msk $0xffff, v9;
	s12 =	sshra.s32 s20, $0x2;
	s20 =	sadd.s32 $0x200, s20  }
0x217: {  	v3 =	vld [tilespmem:s12+$0x17970]  }
0x218: {  	v4 =	vld [tilespmem:s12+$0x17900]  }
0x219: {  	v5 =	vld [tilespmem:s12+$0x17910]  }
0x21a: {  	v6 =	vld [tilespmem:s12+$0x17920]  }
0x21b: {  	v7 =	vld [tilespmem:s12+$0x17930]  }
0x21c: {  	v8 =	vld [tilespmem:s12+$0x17950]  }
0x21d: {  	v9 =	vld [tilespmem:s12+$0x17960]  }
0x21e: {  	[tilespmem:s12+$0x11570] =	vst.add.f32.msk $0xffff, v3  }
0x21f: {  	v3 =	vld [tilespmem:s12+$0x17940]  }
0x220: {  	[tilespmem:s12+$0x11500] =	vst.add.f32.msk $0xffff, v4  }
0x221: {  	[tilespmem:s12+$0x11510] =	vst.add.f32.msk $0xffff, v5  }
0x222: {  	[tilespmem:s12+$0x11520] =	vst.add.f32.msk $0xffff, v6  }
.Ltmp23:
0x223: {  	[tilespmem:s12+$0x11530] =	vst.add.f32.msk $0xffff, v7;
	(pc) =	sbr.rel .LBB2_36-.Ltmp23, $4  }
0x224: {  	[tilespmem:s12+$0x11550] =	vst.add.f32.msk $0xffff, v8  }
0x225: {  	[tilespmem:s12+$0x11560] =	vst.add.f32.msk $0xffff, v9  }
0x226: {  	s11 =	sadd.s32 s11, s10;
	[tilespmem:s12+$0x11540] =	vst.add.f32.msk $0xffff, v3  }
0x227: {  	[hbm4b:s11+s4] =	stream.linear.scatter [tilespmem:s26], [sflag:$0x4], $0x1800, $0x38;
	[tilespmem:$0x1F500] =	vst v63  }
.LBB2_38:
0x228: {  	_ =	sfence.sel $0x180000  }
0x229: {  	[bflag:$0x0] =	sbarrier.arrive $0xFFFF  }
0x22a: {  	_ =	strace $0x90000047  }
0x22b: {  	s0 =	stileid.u32;
	[bflag:$0x2] =	sbarrier.arrive $0xFFFF  }
0x22c: {  	p0 =	sne.s32 s0, $0x0;
	s0 =	rddreg [dreg:$0x3]  }
0x22d: {  	s0 =	sadd.s32 @!p0 $0x100000, s0  }
0x22e: {  	[sflag:s0] =	ssyncadd.tile.s32 @!p0 $0x1;
	_ =	shalt  }
.Lfunc_end2:
_tile_overlayer_lowered:
.L_overlay_start_2:
0x22f: {  	(tag) =	ssettag $0x2  }
0x230: {  	s0 =	rddreg [dreg:$0x0];
	s2 =	stileid.u32  }
0x231: {  	s1 =	rddreg [dreg:$0x1];
	p0 =	sne.s32 s2, $0x0  }
0x232: {  	s3 =	rddreg [dreg:$0x2];
	[bflag:$0x3] =	sbarrier.arrive $0xFFFF;
	s2 =	simm.s32 @!p0 $0x1C06  }
0x233: {  	[timem:s3], [sflag:s2] =	dma.local @!p0 [hbm:s0], s1  }
0x234: {  	s0 =	simm.s32 @!p0 $0x6  }
0x235: {  	_ =	swait.ge @!p0 [sflag:s0], s1  }
0x236: {  	s1 =	ssub.s32 @!p0 $0x0, s1;
	[sflag:s0] =	ssyncset.done @!p0 $0x0  }
0x237: {  	[sflag:s0] =	ssyncadd.s32 @!p0 s1  }
0x238: {  	[bflag:$0x3] =	sbarrier.arrive $0xFFFF  }
0x239: {  	_ =	shalt  }

</sc_bundles>
